<compile_context>
chip_gen: v7x
topology: tpu7x:2x2x1
jax: 0.10.2.dev20260603
libtpu: 0.0.44.dev20260713+nightly
codegen_flags: <defaults>
</compile_context>

<pallas_src>
import functools

import jax
import jax.numpy as jnp
from jax import lax
from jax.experimental import pallas as pl
from jax.experimental.pallas import tpu as pltpu
from jax.experimental.pallas import tpu_sc as plsc

_NUM_EMBEDDINGS = 1000000
_DIM = 64
_BATCH = 16384
_HIST = 200
_B = _BATCH * _HIST

_NC = 2
_NS = 16
_NW = _NC * _NS

_B_PER_W = _B // _NW
_CHUNK = 400
_ROWS_PER_CHUNK = _CHUNK // _HIST
_BROWS_PER_W = _BATCH // _NW
_STEPS = _B_PER_W // _CHUNK
_NBUF = 4
_G = _STEPS // _NBUF


def _body(table_hbm, idx_hbm, out_hbm, idx_v, rows_v,
          isem0, isem1, isem2, isem3,
          gsem0, gsem1, gsem2, gsem3,
          osem0, osem1, osem2, osem3):
    wid = lax.axis_index("s") * _NC + lax.axis_index("c")
    base = wid * _B_PER_W
    isems = (isem0, isem1, isem2, isem3)
    gsems = (gsem0, gsem1, gsem2, gsem3)
    osems = (osem0, osem1, osem2, osem3)

    def start_idx(i, b):
        off = base + i * _CHUNK
        pltpu.async_copy(idx_hbm.at[pl.ds(off, _CHUNK)], idx_v.at[b], isems[b])

    def wait_idx(b):
        pltpu.make_async_copy(idx_hbm.at[pl.ds(0, _CHUNK)], idx_v.at[b],
                              isems[b]).wait()

    def start_gather(b):
        for j in range(_ROWS_PER_CHUNK):
            pltpu.async_copy(
                table_hbm.at[idx_v.at[b, pl.ds(j * _HIST, _HIST)]],
                rows_v.at[b, j], gsems[b])

    def wait_gather(b):
        for j in range(_ROWS_PER_CHUNK):
            pltpu.make_async_copy(
                table_hbm.at[idx_v.at[b, pl.ds(j * _HIST, _HIST)]],
                rows_v.at[b, j], gsems[b]).wait()

    def start_write(i, b):
        boff = wid * _BROWS_PER_W + i * _ROWS_PER_CHUNK
        pltpu.async_copy(
            rows_v.at[b],
            out_hbm.at[pl.ds(boff, _ROWS_PER_CHUNK), :, pl.ds(0, _DIM)],
            osems[b])

    def wait_write(b):
        pltpu.make_async_copy(
            rows_v.at[b],
            out_hbm.at[pl.ds(0, _ROWS_PER_CHUNK), :, pl.ds(0, _DIM)],
            osems[b]).wait()

    def chunk_step(i, b):
        @pl.when(i > 1)
        def _():
            wait_gather((b - 2) % _NBUF)
            start_write(i - 2, (b - 2) % _NBUF)

        @pl.when(i + 2 < _STEPS)
        def _():
            start_idx(i + 2, (b + 2) % _NBUF)

        wait_idx(b)

        @pl.when(i > 3)
        def _():
            wait_write(b)

        start_gather(b)

    start_idx(0, 0)
    start_idx(1, 1)

    def gstep(g, carry):
        i0 = _NBUF * g
        for b in range(_NBUF):
            chunk_step(i0 + b, b)
        return carry

    lax.fori_loop(0, _G, gstep, 0)

    wait_gather((_STEPS - 2) % _NBUF)
    start_write(_STEPS - 2, (_STEPS - 2) % _NBUF)
    wait_gather((_STEPS - 1) % _NBUF)
    start_write(_STEPS - 1, (_STEPS - 1) % _NBUF)
    for b in range(_NBUF):
        wait_write(b)


_gather = functools.partial(
    pl.kernel,
    out_type=jax.ShapeDtypeStruct((_BATCH, _HIST, 2 * _DIM), jnp.float32),
    mesh=plsc.VectorSubcoreMesh(core_axis_name="c", subcore_axis_name="s"),
    scratch_types=[
        pltpu.VMEM((_NBUF, _CHUNK), jnp.int32),
        pltpu.VMEM((_NBUF, _ROWS_PER_CHUNK, _HIST, _DIM), jnp.float32),
    ] + [pltpu.SemaphoreType.DMA] * 12,
    compiler_params=pltpu.CompilerParams(use_tc_tiling_on_sc=False),
)(_body)


@jax.jit
def kernel(token_ids, weights):
    flat = token_ids.reshape(_B)
    padded = _gather(weights, flat)
    return padded[:, :, :_DIM]

# --- scband reference (transcript-rebuilt; emitter-appended) ---
"""Pipeline reference for scband-embedding-85624468013192 (READ-ONLY COPY).

The authoritative reference and input builder live on the scoring server;
editing this copy changes nothing except your own understanding.
"""

import jax, jax.numpy as jnp
import numpy as np

NUM_EMBEDDINGS = 1000000
EMBEDDING_DIM = 64
BATCH = 16384
HIST = 200


def setup_inputs(seed: int = 0) -> dict:
    key = jax.random.key(seed)
    k_idx, k_w = jax.random.split(key)
    token_ids = jax.random.randint(k_idx, (BATCH, HIST), 0, NUM_EMBEDDINGS, dtype=jnp.int64 if jax.config.jax_enable_x64 else jnp.int32)
    # trunc_normal_(mean=0, std=1, a=-3, b=3) approximated by clipped normal
    weights = jnp.clip(jax.random.normal(k_w, (NUM_EMBEDDINGS, EMBEDDING_DIM), dtype=jnp.float32), -3.0, 3.0)
    return {"token_ids": token_ids, "weights": weights}


def reference(token_ids, weights):
    # Embedding lookup: gather rows of the table by token id
    return jnp.take(weights, token_ids, axis=0)

if __name__ == "__main__":
    import jax
    _d = setup_inputs()
    print(jax.jit(kernel)(*tuple(_d.values())))

</pallas_src>

<mosaic_0001>
#map = affine_map<(d0, d1) -> (0, 0)>
#map1 = affine_map<(d0, d1) -> (0)>
#map2 = affine_map<(d0, d1) -> (0, 0, 0)>
module attributes {stable_mosaic.version = 14 : i64} {
  func.func @_body(%arg0: i32, %arg1: i32, %arg2: memref<1000000x64xf32, #tpu.memory_space<hbm>>, %arg3: memref<3276800xi32, #tpu.memory_space<hbm>>, %arg4: memref<16384x200x128xf32, #tpu.memory_space<hbm>>, %arg5: memref<4x400xi32, #tpu.memory_space<vmem>>, %arg6: memref<4x2x200x64xf32, #tpu.memory_space<vmem>>, %arg7: memref<!tpu.dma_semaphore, #tpu.memory_space<semaphore_mem>>, %arg8: memref<!tpu.dma_semaphore, #tpu.memory_space<semaphore_mem>>, %arg9: memref<!tpu.dma_semaphore, #tpu.memory_space<semaphore_mem>>, %arg10: memref<!tpu.dma_semaphore, #tpu.memory_space<semaphore_mem>>, %arg11: memref<!tpu.dma_semaphore, #tpu.memory_space<semaphore_mem>>, %arg12: memref<!tpu.dma_semaphore, #tpu.memory_space<semaphore_mem>>, %arg13: memref<!tpu.dma_semaphore, #tpu.memory_space<semaphore_mem>>, %arg14: memref<!tpu.dma_semaphore, #tpu.memory_space<semaphore_mem>>, %arg15: memref<!tpu.dma_semaphore, #tpu.memory_space<semaphore_mem>>, %arg16: memref<!tpu.dma_semaphore, #tpu.memory_space<semaphore_mem>>, %arg17: memref<!tpu.dma_semaphore, #tpu.memory_space<semaphore_mem>>, %arg18: memref<!tpu.dma_semaphore, #tpu.memory_space<semaphore_mem>>) attributes {dimension_semantics = [#tpu.dimension_semantics<core_parallel>, #tpu.dimension_semantics<subcore_parallel>], iteration_bounds = array<i64: 2, 16>, scalar_prefetch = 0 : i64, scratch_operands = 14 : i64, tpu.core_type = #tpu.core_type<sc_vector_subcore>, window_params = [{transform_indices = #map}, {transform_indices = #map1}, {transform_indices = #map2}]} {
    %mul3A = arith.constant 2 : i32
    %mul3A_0 = arith.muli %arg1, %mul3A : i32
    %add3A = arith.addi %mul3A_0, %arg0 : i32
    %mul3A_1 = arith.constant 102400 : i32
    %mul3A_2 = arith.muli %add3A, %mul3A_1 : i32
    %add3A_3 = arith.constant 0 : i32
    %add3A_4 = arith.addi %mul3A_2, %add3A_3 : i32
    %dma_start3A = arith.constant 0 : i32
    %dma_start3A_5 = arith.constant 0 : i32
    %dma_start3A_6 = tpu.memref_slice %arg5[%dma_start3A, %dma_start3A_5] : memref<4x400xi32, #tpu.memory_space<vmem>> -> memref<1x400xi32, #tpu.memory_space<vmem>>
    %dma_start3A_7 = tpu.memref_squeeze %dma_start3A_6 : memref<1x400xi32, #tpu.memory_space<vmem>> -> memref<400xi32, #tpu.memory_space<vmem>>
    %dma_start3A_8 = tpu.memref_slice %arg3[%add3A_4] : memref<3276800xi32, #tpu.memory_space<hbm>> -> memref<400xi32, #tpu.memory_space<hbm>>
    %dma_start3A_9 = arith.constant 0 : i32
    %dma_start3A_10 = tpu.memref_slice %arg5[%dma_start3A, %dma_start3A_9] : memref<4x400xi32, #tpu.memory_space<vmem>> -> memref<1x400xi32, #tpu.memory_space<vmem>>
    %dma_start3A_11 = tpu.memref_squeeze %dma_start3A_10 : memref<1x400xi32, #tpu.memory_space<vmem>> -> memref<400xi32, #tpu.memory_space<vmem>>
    %dma_start3A_12 = tpu.memref_slice %arg3[%add3A_4] : memref<3276800xi32, #tpu.memory_space<hbm>> -> memref<400xi32, #tpu.memory_space<hbm>>
    tpu.enqueue_dma source(%dma_start3A_12 : memref<400xi32, #tpu.memory_space<hbm>>) target(%dma_start3A_11 : memref<400xi32, #tpu.memory_space<vmem>>) target_semaphore(%arg7 : memref<!tpu.dma_semaphore, #tpu.memory_space<semaphore_mem>>)
    %add3A_13 = arith.constant 400 : i32
    %add3A_14 = arith.addi %mul3A_2, %add3A_13 : i32
    %dma_start3A_15 = arith.constant 1 : i32
    %dma_start3A_16 = arith.constant 0 : i32
    %dma_start3A_17 = tpu.memref_slice %arg5[%dma_start3A_15, %dma_start3A_16] : memref<4x400xi32, #tpu.memory_space<vmem>> -> memref<1x400xi32, #tpu.memory_space<vmem>>
    %dma_start3A_18 = tpu.memref_squeeze %dma_start3A_17 : memref<1x400xi32, #tpu.memory_space<vmem>> -> memref<400xi32, #tpu.memory_space<vmem>>
    %dma_start3A_19 = tpu.memref_slice %arg3[%add3A_14] : memref<3276800xi32, #tpu.memory_space<hbm>> -> memref<400xi32, #tpu.memory_space<hbm>>
    %dma_start3A_20 = arith.constant 0 : i32
    %dma_start3A_21 = tpu.memref_slice %arg5[%dma_start3A_15, %dma_start3A_20] : memref<4x400xi32, #tpu.memory_space<vmem>> -> memref<1x400xi32, #tpu.memory_space<vmem>>
    %dma_start3A_22 = tpu.memref_squeeze %dma_start3A_21 : memref<1x400xi32, #tpu.memory_space<vmem>> -> memref<400xi32, #tpu.memory_space<vmem>>
    %dma_start3A_23 = tpu.memref_slice %arg3[%add3A_14] : memref<3276800xi32, #tpu.memory_space<hbm>> -> memref<400xi32, #tpu.memory_space<hbm>>
    tpu.enqueue_dma source(%dma_start3A_23 : memref<400xi32, #tpu.memory_space<hbm>>) target(%dma_start3A_22 : memref<400xi32, #tpu.memory_space<vmem>>) target_semaphore(%arg8 : memref<!tpu.dma_semaphore, #tpu.memory_space<semaphore_mem>>)
    %scan3A = arith.constant 0 : i32
    %scan3A_24 = arith.constant 0 : i32
    %scan3A_25 = arith.constant 64 : i32
    %scan3A_26 = arith.addi %scan3A_24, %scan3A_25 : i32
    %scan3A_27 = arith.constant 1 : i32
    scf.for %scan3A_198 = %scan3A_24 to %scan3A_26 step %scan3A_27  : i32 {
      %mul3A_199 = arith.constant 4 : i32
      %mul3A_200 = arith.muli %mul3A_199, %scan3A_198 : i32
      %add3A_201 = arith.constant 0 : i32
      %add3A_202 = arith.addi %mul3A_200, %add3A_201 : i32
      %gt3A = arith.constant 1 : i32
      %gt3A_203 = arith.cmpi sgt, %add3A_202, %gt3A : i32
      %convert_element_type3A = arith.extui %gt3A_203 : i1 to i32
      %cond3A = arith.constant 0 : i32
      %cond3A_204 = arith.cmpi ne, %convert_element_type3A, %cond3A : i32
      scf.if %cond3A_204 {
        %dma_wait3A_421 = arith.constant 2 : i32
        %dma_wait3A_422 = arith.constant 2 : i32
        %dma_wait3A_423 = arith.constant 0 : i32
        %dma_wait3A_424 = arith.constant 0 : i32
        %dma_wait3A_425 = arith.constant 0 : i32
        %dma_wait3A_426 = tpu.memref_slice %arg6[%dma_wait3A_422, %dma_wait3A_423, %dma_wait3A_424, %dma_wait3A_425] : memref<4x2x200x64xf32, #tpu.memory_space<vmem>> -> memref<1x1x200x64xf32, #tpu.memory_space<vmem>>
        %dma_wait3A_427 = tpu.memref_squeeze %dma_wait3A_426 : memref<1x1x200x64xf32, #tpu.memory_space<vmem>> -> memref<200x64xf32, #tpu.memory_space<vmem>>
        %dma_wait3A_428 = arith.constant 0 : i32
        %dma_wait3A_429 = tpu.memref_slice %arg5[%dma_wait3A_421, %dma_wait3A_428] : memref<4x400xi32, #tpu.memory_space<vmem>> -> memref<1x200xi32, #tpu.memory_space<vmem>>
        %dma_wait3A_430 = tpu.memref_squeeze %dma_wait3A_429 : memref<1x200xi32, #tpu.memory_space<vmem>> -> memref<200xi32, #tpu.memory_space<vmem>>
        %dma_wait3A_431 = arith.constant 0 : i32
        %dma_wait3A_432 = arith.constant 0 : i32
        %dma_wait3A_433 = tpu.memref_slice %arg2[%dma_wait3A_431, %dma_wait3A_432] : memref<1000000x64xf32, #tpu.memory_space<hbm>> -> memref<1000000x64xf32, #tpu.memory_space<hbm>>
        tpu.wait_indirect_dma semaphore(%arg13 : memref<!tpu.dma_semaphore, #tpu.memory_space<semaphore_mem>>) src(%dma_wait3A_433 : memref<1000000x64xf32, #tpu.memory_space<hbm>>) dst(%dma_wait3A_427 : memref<200x64xf32, #tpu.memory_space<vmem>>)
        %dma_wait3A_434 = arith.constant 2 : i32
        %dma_wait3A_435 = arith.constant 2 : i32
        %dma_wait3A_436 = arith.constant 1 : i32
        %dma_wait3A_437 = arith.constant 0 : i32
        %dma_wait3A_438 = arith.constant 0 : i32
        %dma_wait3A_439 = tpu.memref_slice %arg6[%dma_wait3A_435, %dma_wait3A_436, %dma_wait3A_437, %dma_wait3A_438] : memref<4x2x200x64xf32, #tpu.memory_space<vmem>> -> memref<1x1x200x64xf32, #tpu.memory_space<vmem>>
        %dma_wait3A_440 = tpu.memref_squeeze %dma_wait3A_439 : memref<1x1x200x64xf32, #tpu.memory_space<vmem>> -> memref<200x64xf32, #tpu.memory_space<vmem>>
        %dma_wait3A_441 = arith.constant 200 : i32
        %dma_wait3A_442 = tpu.memref_slice %arg5[%dma_wait3A_434, %dma_wait3A_441] : memref<4x400xi32, #tpu.memory_space<vmem>> -> memref<1x200xi32, #tpu.memory_space<vmem>>
        %dma_wait3A_443 = tpu.memref_squeeze %dma_wait3A_442 : memref<1x200xi32, #tpu.memory_space<vmem>> -> memref<200xi32, #tpu.memory_space<vmem>>
        %dma_wait3A_444 = arith.constant 0 : i32
        %dma_wait3A_445 = arith.constant 0 : i32
        %dma_wait3A_446 = tpu.memref_slice %arg2[%dma_wait3A_444, %dma_wait3A_445] : memref<1000000x64xf32, #tpu.memory_space<hbm>> -> memref<1000000x64xf32, #tpu.memory_space<hbm>>
        tpu.wait_indirect_dma semaphore(%arg13 : memref<!tpu.dma_semaphore, #tpu.memory_space<semaphore_mem>>) src(%dma_wait3A_446 : memref<1000000x64xf32, #tpu.memory_space<hbm>>) dst(%dma_wait3A_440 : memref<200x64xf32, #tpu.memory_space<vmem>>)
        %sub3A = arith.constant 2 : i32
        %sub3A_447 = arith.subi %add3A_202, %sub3A : i32
        %mul3A_448 = arith.constant 512 : i32
        %mul3A_449 = arith.muli %add3A, %mul3A_448 : i32
        %mul3A_450 = arith.constant 2 : i32
        %mul3A_451 = arith.muli %sub3A_447, %mul3A_450 : i32
        %add3A_452 = arith.addi %mul3A_449, %mul3A_451 : i32
        %dma_start3A_453 = arith.constant 2 : i32
        %dma_start3A_454 = arith.constant 0 : i32
        %dma_start3A_455 = arith.constant 0 : i32
        %dma_start3A_456 = arith.constant 0 : i32
        %dma_start3A_457 = tpu.memref_slice %arg6[%dma_start3A_453, %dma_start3A_454, %dma_start3A_455, %dma_start3A_456] : memref<4x2x200x64xf32, #tpu.memory_space<vmem>> -> memref<1x2x200x64xf32, #tpu.memory_space<vmem>>
        %dma_start3A_458 = tpu.memref_squeeze %dma_start3A_457 : memref<1x2x200x64xf32, #tpu.memory_space<vmem>> -> memref<2x200x64xf32, #tpu.memory_space<vmem>>
        %dma_start3A_459 = arith.constant 0 : i32
        %dma_start3A_460 = arith.constant 0 : i32
        %dma_start3A_461 = tpu.memref_slice %arg4[%add3A_452, %dma_start3A_459, %dma_start3A_460] : memref<16384x200x128xf32, #tpu.memory_space<hbm>> -> memref<2x200x64xf32, #tpu.memory_space<hbm>>
        %dma_start3A_462 = arith.constant 0 : i32
        %dma_start3A_463 = arith.constant 0 : i32
        %dma_start3A_464 = tpu.memref_slice %arg4[%add3A_452, %dma_start3A_462, %dma_start3A_463] : memref<16384x200x128xf32, #tpu.memory_space<hbm>> -> memref<2x200x64xf32, #tpu.memory_space<hbm>>
        %dma_start3A_465 = arith.constant 0 : i32
        %dma_start3A_466 = arith.constant 0 : i32
        %dma_start3A_467 = arith.constant 0 : i32
        %dma_start3A_468 = tpu.memref_slice %arg6[%dma_start3A_453, %dma_start3A_465, %dma_start3A_466, %dma_start3A_467] : memref<4x2x200x64xf32, #tpu.memory_space<vmem>> -> memref<1x2x200x64xf32, #tpu.memory_space<vmem>>
        %dma_start3A_469 = tpu.memref_squeeze %dma_start3A_468 : memref<1x2x200x64xf32, #tpu.memory_space<vmem>> -> memref<2x200x64xf32, #tpu.memory_space<vmem>>
        tpu.enqueue_dma source(%dma_start3A_469 : memref<2x200x64xf32, #tpu.memory_space<vmem>>) target(%dma_start3A_464 : memref<2x200x64xf32, #tpu.memory_space<hbm>>) target_semaphore(%arg17 : memref<!tpu.dma_semaphore, #tpu.memory_space<semaphore_mem>>)
      } else {
      }
      %add3A_205 = arith.constant 2 : i32
      %add3A_206 = arith.addi %add3A_202, %add3A_205 : i32
      %lt3A = arith.constant 256 : i32
      %lt3A_207 = arith.cmpi slt, %add3A_206, %lt3A : i32
      %convert_element_type3A_208 = arith.extui %lt3A_207 : i1 to i32
      %cond3A_209 = arith.constant 0 : i32
      %cond3A_210 = arith.cmpi ne, %convert_element_type3A_208, %cond3A_209 : i32
      scf.if %cond3A_210 {
        %add3A_421 = arith.constant 2 : i32
        %add3A_422 = arith.addi %add3A_202, %add3A_421 : i32
        %mul3A_423 = arith.constant 400 : i32
        %mul3A_424 = arith.muli %add3A_422, %mul3A_423 : i32
        %add3A_425 = arith.addi %mul3A_2, %mul3A_424 : i32
        %dma_start3A_426 = arith.constant 2 : i32
        %dma_start3A_427 = arith.constant 0 : i32
        %dma_start3A_428 = tpu.memref_slice %arg5[%dma_start3A_426, %dma_start3A_427] : memref<4x400xi32, #tpu.memory_space<vmem>> -> memref<1x400xi32, #tpu.memory_space<vmem>>
        %dma_start3A_429 = tpu.memref_squeeze %dma_start3A_428 : memref<1x400xi32, #tpu.memory_space<vmem>> -> memref<400xi32, #tpu.memory_space<vmem>>
        %dma_start3A_430 = tpu.memref_slice %arg3[%add3A_425] : memref<3276800xi32, #tpu.memory_space<hbm>> -> memref<400xi32, #tpu.memory_space<hbm>>
        %dma_start3A_431 = arith.constant 0 : i32
        %dma_start3A_432 = tpu.memref_slice %arg5[%dma_start3A_426, %dma_start3A_431] : memref<4x400xi32, #tpu.memory_space<vmem>> -> memref<1x400xi32, #tpu.memory_space<vmem>>
        %dma_start3A_433 = tpu.memref_squeeze %dma_start3A_432 : memref<1x400xi32, #tpu.memory_space<vmem>> -> memref<400xi32, #tpu.memory_space<vmem>>
        %dma_start3A_434 = tpu.memref_slice %arg3[%add3A_425] : memref<3276800xi32, #tpu.memory_space<hbm>> -> memref<400xi32, #tpu.memory_space<hbm>>
        tpu.enqueue_dma source(%dma_start3A_434 : memref<400xi32, #tpu.memory_space<hbm>>) target(%dma_start3A_433 : memref<400xi32, #tpu.memory_space<vmem>>) target_semaphore(%arg9 : memref<!tpu.dma_semaphore, #tpu.memory_space<semaphore_mem>>)
      } else {
      }
      %dma_wait3A_211 = arith.constant 0 : i32
      %dma_wait3A_212 = arith.constant 0 : i32
      %dma_wait3A_213 = tpu.memref_slice %arg5[%dma_wait3A_211, %dma_wait3A_212] : memref<4x400xi32, #tpu.memory_space<vmem>> -> memref<1x400xi32, #tpu.memory_space<vmem>>
      %dma_wait3A_214 = tpu.memref_squeeze %dma_wait3A_213 : memref<1x400xi32, #tpu.memory_space<vmem>> -> memref<400xi32, #tpu.memory_space<vmem>>
      %dma_wait3A_215 = arith.constant 0 : i32
      %dma_wait3A_216 = tpu.memref_slice %arg3[%dma_wait3A_215] : memref<3276800xi32, #tpu.memory_space<hbm>> -> memref<400xi32, #tpu.memory_space<hbm>>
      %dma_wait3A_217 = arith.constant 0 : i32
      %dma_wait3A_218 = tpu.memref_slice %arg5[%dma_wait3A_211, %dma_wait3A_217] : memref<4x400xi32, #tpu.memory_space<vmem>> -> memref<1x400xi32, #tpu.memory_space<vmem>>
      %dma_wait3A_219 = tpu.memref_squeeze %dma_wait3A_218 : memref<1x400xi32, #tpu.memory_space<vmem>> -> memref<400xi32, #tpu.memory_space<vmem>>
      %dma_wait3A_220 = arith.constant 0 : i32
      %dma_wait3A_221 = tpu.memref_slice %arg3[%dma_wait3A_220] : memref<3276800xi32, #tpu.memory_space<hbm>> -> memref<400xi32, #tpu.memory_space<hbm>>
      tpu.wait_dma2 semaphore(%arg7 : memref<!tpu.dma_semaphore, #tpu.memory_space<semaphore_mem>>) src(%dma_wait3A_221 : memref<400xi32, #tpu.memory_space<hbm>>) dst(%dma_wait3A_219 : memref<400xi32, #tpu.memory_space<vmem>>)
      %gt3A_222 = arith.constant 3 : i32
      %gt3A_223 = arith.cmpi sgt, %add3A_202, %gt3A_222 : i32
      %convert_element_type3A_224 = arith.extui %gt3A_223 : i1 to i32
      %cond3A_225 = arith.constant 0 : i32
      %cond3A_226 = arith.cmpi ne, %convert_element_type3A_224, %cond3A_225 : i32
      scf.if %cond3A_226 {
        %dma_wait3A_421 = arith.constant 0 : i32
        %dma_wait3A_422 = arith.constant 0 : i32
        %dma_wait3A_423 = arith.constant 0 : i32
        %dma_wait3A_424 = arith.constant 0 : i32
        %dma_wait3A_425 = tpu.memref_slice %arg6[%dma_wait3A_421, %dma_wait3A_422, %dma_wait3A_423, %dma_wait3A_424] : memref<4x2x200x64xf32, #tpu.memory_space<vmem>> -> memref<1x2x200x64xf32, #tpu.memory_space<vmem>>
        %dma_wait3A_426 = tpu.memref_squeeze %dma_wait3A_425 : memref<1x2x200x64xf32, #tpu.memory_space<vmem>> -> memref<2x200x64xf32, #tpu.memory_space<vmem>>
        %dma_wait3A_427 = arith.constant 0 : i32
        %dma_wait3A_428 = arith.constant 0 : i32
        %dma_wait3A_429 = arith.constant 0 : i32
        %dma_wait3A_430 = tpu.memref_slice %arg4[%dma_wait3A_427, %dma_wait3A_428, %dma_wait3A_429] : memref<16384x200x128xf32, #tpu.memory_space<hbm>> -> memref<2x200x64xf32, #tpu.memory_space<hbm>>
        %dma_wait3A_431 = arith.constant 0 : i32
        %dma_wait3A_432 = arith.constant 0 : i32
        %dma_wait3A_433 = arith.constant 0 : i32
        %dma_wait3A_434 = tpu.memref_slice %arg4[%dma_wait3A_431, %dma_wait3A_432, %dma_wait3A_433] : memref<16384x200x128xf32, #tpu.memory_space<hbm>> -> memref<2x200x64xf32, #tpu.memory_space<hbm>>
        %dma_wait3A_435 = arith.constant 0 : i32
        %dma_wait3A_436 = arith.constant 0 : i32
        %dma_wait3A_437 = arith.constant 0 : i32
        %dma_wait3A_438 = tpu.memref_slice %arg6[%dma_wait3A_421, %dma_wait3A_435, %dma_wait3A_436, %dma_wait3A_437] : memref<4x2x200x64xf32, #tpu.memory_space<vmem>> -> memref<1x2x200x64xf32, #tpu.memory_space<vmem>>
        %dma_wait3A_439 = tpu.memref_squeeze %dma_wait3A_438 : memref<1x2x200x64xf32, #tpu.memory_space<vmem>> -> memref<2x200x64xf32, #tpu.memory_space<vmem>>
        tpu.wait_dma2 semaphore(%arg15 : memref<!tpu.dma_semaphore, #tpu.memory_space<semaphore_mem>>) src(%dma_wait3A_439 : memref<2x200x64xf32, #tpu.memory_space<vmem>>) dst(%dma_wait3A_434 : memref<2x200x64xf32, #tpu.memory_space<hbm>>)
      } else {
      }
      %dma_start3A_227 = arith.constant 0 : i32
      %dma_start3A_228 = arith.constant 0 : i32
      %dma_start3A_229 = arith.constant 0 : i32
      %dma_start3A_230 = arith.constant 0 : i32
      %dma_start3A_231 = arith.constant 0 : i32
      %dma_start3A_232 = tpu.memref_slice %arg6[%dma_start3A_228, %dma_start3A_229, %dma_start3A_230, %dma_start3A_231] : memref<4x2x200x64xf32, #tpu.memory_space<vmem>> -> memref<1x1x200x64xf32, #tpu.memory_space<vmem>>
      %dma_start3A_233 = tpu.memref_squeeze %dma_start3A_232 : memref<1x1x200x64xf32, #tpu.memory_space<vmem>> -> memref<200x64xf32, #tpu.memory_space<vmem>>
      %dma_start3A_234 = arith.constant 0 : i32
      %dma_start3A_235 = tpu.memref_slice %arg5[%dma_start3A_227, %dma_start3A_234] : memref<4x400xi32, #tpu.memory_space<vmem>> -> memref<1x200xi32, #tpu.memory_space<vmem>>
      %dma_start3A_236 = tpu.memref_squeeze %dma_start3A_235 : memref<1x200xi32, #tpu.memory_space<vmem>> -> memref<200xi32, #tpu.memory_space<vmem>>
      %dma_start3A_237 = arith.constant 0 : i32
      %dma_start3A_238 = arith.constant 0 : i32
      %dma_start3A_239 = tpu.memref_slice %arg2[%dma_start3A_237, %dma_start3A_238] : memref<1000000x64xf32, #tpu.memory_space<hbm>> -> memref<1000000x64xf32, #tpu.memory_space<hbm>>
      tpu.enqueue_indirect_dma source(%dma_start3A_239 : memref<1000000x64xf32, #tpu.memory_space<hbm>>) target(%dma_start3A_233 : memref<200x64xf32, #tpu.memory_space<vmem>>) offsets(%dma_start3A_236 : memref<200xi32, #tpu.memory_space<vmem>>) semaphore(%arg11 : memref<!tpu.dma_semaphore, #tpu.memory_space<semaphore_mem>>)
      %dma_start3A_240 = arith.constant 0 : i32
      %dma_start3A_241 = arith.constant 0 : i32
      %dma_start3A_242 = arith.constant 1 : i32
      %dma_start3A_243 = arith.constant 0 : i32
      %dma_start3A_244 = arith.constant 0 : i32
      %dma_start3A_245 = tpu.memref_slice %arg6[%dma_start3A_241, %dma_start3A_242, %dma_start3A_243, %dma_start3A_244] : memref<4x2x200x64xf32, #tpu.memory_space<vmem>> -> memref<1x1x200x64xf32, #tpu.memory_space<vmem>>
      %dma_start3A_246 = tpu.memref_squeeze %dma_start3A_245 : memref<1x1x200x64xf32, #tpu.memory_space<vmem>> -> memref<200x64xf32, #tpu.memory_space<vmem>>
      %dma_start3A_247 = arith.constant 200 : i32
      %dma_start3A_248 = tpu.memref_slice %arg5[%dma_start3A_240, %dma_start3A_247] : memref<4x400xi32, #tpu.memory_space<vmem>> -> memref<1x200xi32, #tpu.memory_space<vmem>>
      %dma_start3A_249 = tpu.memref_squeeze %dma_start3A_248 : memref<1x200xi32, #tpu.memory_space<vmem>> -> memref<200xi32, #tpu.memory_space<vmem>>
      %dma_start3A_250 = arith.constant 0 : i32
      %dma_start3A_251 = arith.constant 0 : i32
      %dma_start3A_252 = tpu.memref_slice %arg2[%dma_start3A_250, %dma_start3A_251] : memref<1000000x64xf32, #tpu.memory_space<hbm>> -> memref<1000000x64xf32, #tpu.memory_space<hbm>>
      tpu.enqueue_indirect_dma source(%dma_start3A_252 : memref<1000000x64xf32, #tpu.memory_space<hbm>>) target(%dma_start3A_246 : memref<200x64xf32, #tpu.memory_space<vmem>>) offsets(%dma_start3A_249 : memref<200xi32, #tpu.memory_space<vmem>>) semaphore(%arg11 : memref<!tpu.dma_semaphore, #tpu.memory_space<semaphore_mem>>)
      %add3A_253 = arith.constant 1 : i32
      %add3A_254 = arith.addi %mul3A_200, %add3A_253 : i32
      %gt3A_255 = arith.constant 1 : i32
      %gt3A_256 = arith.cmpi sgt, %add3A_254, %gt3A_255 : i32
      %convert_element_type3A_257 = arith.extui %gt3A_256 : i1 to i32
      %cond3A_258 = arith.constant 0 : i32
      %cond3A_259 = arith.cmpi ne, %convert_element_type3A_257, %cond3A_258 : i32
      scf.if %cond3A_259 {
        %dma_wait3A_421 = arith.constant 3 : i32
        %dma_wait3A_422 = arith.constant 3 : i32
        %dma_wait3A_423 = arith.constant 0 : i32
        %dma_wait3A_424 = arith.constant 0 : i32
        %dma_wait3A_425 = arith.constant 0 : i32
        %dma_wait3A_426 = tpu.memref_slice %arg6[%dma_wait3A_422, %dma_wait3A_423, %dma_wait3A_424, %dma_wait3A_425] : memref<4x2x200x64xf32, #tpu.memory_space<vmem>> -> memref<1x1x200x64xf32, #tpu.memory_space<vmem>>
        %dma_wait3A_427 = tpu.memref_squeeze %dma_wait3A_426 : memref<1x1x200x64xf32, #tpu.memory_space<vmem>> -> memref<200x64xf32, #tpu.memory_space<vmem>>
        %dma_wait3A_428 = arith.constant 0 : i32
        %dma_wait3A_429 = tpu.memref_slice %arg5[%dma_wait3A_421, %dma_wait3A_428] : memref<4x400xi32, #tpu.memory_space<vmem>> -> memref<1x200xi32, #tpu.memory_space<vmem>>
        %dma_wait3A_430 = tpu.memref_squeeze %dma_wait3A_429 : memref<1x200xi32, #tpu.memory_space<vmem>> -> memref<200xi32, #tpu.memory_space<vmem>>
        %dma_wait3A_431 = arith.constant 0 : i32
        %dma_wait3A_432 = arith.constant 0 : i32
        %dma_wait3A_433 = tpu.memref_slice %arg2[%dma_wait3A_431, %dma_wait3A_432] : memref<1000000x64xf32, #tpu.memory_space<hbm>> -> memref<1000000x64xf32, #tpu.memory_space<hbm>>
        tpu.wait_indirect_dma semaphore(%arg14 : memref<!tpu.dma_semaphore, #tpu.memory_space<semaphore_mem>>) src(%dma_wait3A_433 : memref<1000000x64xf32, #tpu.memory_space<hbm>>) dst(%dma_wait3A_427 : memref<200x64xf32, #tpu.memory_space<vmem>>)
        %dma_wait3A_434 = arith.constant 3 : i32
        %dma_wait3A_435 = arith.constant 3 : i32
        %dma_wait3A_436 = arith.constant 1 : i32
        %dma_wait3A_437 = arith.constant 0 : i32
        %dma_wait3A_438 = arith.constant 0 : i32
        %dma_wait3A_439 = tpu.memref_slice %arg6[%dma_wait3A_435, %dma_wait3A_436, %dma_wait3A_437, %dma_wait3A_438] : memref<4x2x200x64xf32, #tpu.memory_space<vmem>> -> memref<1x1x200x64xf32, #tpu.memory_space<vmem>>
        %dma_wait3A_440 = tpu.memref_squeeze %dma_wait3A_439 : memref<1x1x200x64xf32, #tpu.memory_space<vmem>> -> memref<200x64xf32, #tpu.memory_space<vmem>>
        %dma_wait3A_441 = arith.constant 200 : i32
        %dma_wait3A_442 = tpu.memref_slice %arg5[%dma_wait3A_434, %dma_wait3A_441] : memref<4x400xi32, #tpu.memory_space<vmem>> -> memref<1x200xi32, #tpu.memory_space<vmem>>
        %dma_wait3A_443 = tpu.memref_squeeze %dma_wait3A_442 : memref<1x200xi32, #tpu.memory_space<vmem>> -> memref<200xi32, #tpu.memory_space<vmem>>
        %dma_wait3A_444 = arith.constant 0 : i32
        %dma_wait3A_445 = arith.constant 0 : i32
        %dma_wait3A_446 = tpu.memref_slice %arg2[%dma_wait3A_444, %dma_wait3A_445] : memref<1000000x64xf32, #tpu.memory_space<hbm>> -> memref<1000000x64xf32, #tpu.memory_space<hbm>>
        tpu.wait_indirect_dma semaphore(%arg14 : memref<!tpu.dma_semaphore, #tpu.memory_space<semaphore_mem>>) src(%dma_wait3A_446 : memref<1000000x64xf32, #tpu.memory_space<hbm>>) dst(%dma_wait3A_440 : memref<200x64xf32, #tpu.memory_space<vmem>>)
        %sub3A = arith.constant 2 : i32
        %sub3A_447 = arith.subi %add3A_254, %sub3A : i32
        %mul3A_448 = arith.constant 512 : i32
        %mul3A_449 = arith.muli %add3A, %mul3A_448 : i32
        %mul3A_450 = arith.constant 2 : i32
        %mul3A_451 = arith.muli %sub3A_447, %mul3A_450 : i32
        %add3A_452 = arith.addi %mul3A_449, %mul3A_451 : i32
        %dma_start3A_453 = arith.constant 3 : i32
        %dma_start3A_454 = arith.constant 0 : i32
        %dma_start3A_455 = arith.constant 0 : i32
        %dma_start3A_456 = arith.constant 0 : i32
        %dma_start3A_457 = tpu.memref_slice %arg6[%dma_start3A_453, %dma_start3A_454, %dma_start3A_455, %dma_start3A_456] : memref<4x2x200x64xf32, #tpu.memory_space<vmem>> -> memref<1x2x200x64xf32, #tpu.memory_space<vmem>>
        %dma_start3A_458 = tpu.memref_squeeze %dma_start3A_457 : memref<1x2x200x64xf32, #tpu.memory_space<vmem>> -> memref<2x200x64xf32, #tpu.memory_space<vmem>>
        %dma_start3A_459 = arith.constant 0 : i32
        %dma_start3A_460 = arith.constant 0 : i32
        %dma_start3A_461 = tpu.memref_slice %arg4[%add3A_452, %dma_start3A_459, %dma_start3A_460] : memref<16384x200x128xf32, #tpu.memory_space<hbm>> -> memref<2x200x64xf32, #tpu.memory_space<hbm>>
        %dma_start3A_462 = arith.constant 0 : i32
        %dma_start3A_463 = arith.constant 0 : i32
        %dma_start3A_464 = tpu.memref_slice %arg4[%add3A_452, %dma_start3A_462, %dma_start3A_463] : memref<16384x200x128xf32, #tpu.memory_space<hbm>> -> memref<2x200x64xf32, #tpu.memory_space<hbm>>
        %dma_start3A_465 = arith.constant 0 : i32
        %dma_start3A_466 = arith.constant 0 : i32
        %dma_start3A_467 = arith.constant 0 : i32
        %dma_start3A_468 = tpu.memref_slice %arg6[%dma_start3A_453, %dma_start3A_465, %dma_start3A_466, %dma_start3A_467] : memref<4x2x200x64xf32, #tpu.memory_space<vmem>> -> memref<1x2x200x64xf32, #tpu.memory_space<vmem>>
        %dma_start3A_469 = tpu.memref_squeeze %dma_start3A_468 : memref<1x2x200x64xf32, #tpu.memory_space<vmem>> -> memref<2x200x64xf32, #tpu.memory_space<vmem>>
        tpu.enqueue_dma source(%dma_start3A_469 : memref<2x200x64xf32, #tpu.memory_space<vmem>>) target(%dma_start3A_464 : memref<2x200x64xf32, #tpu.memory_space<hbm>>) target_semaphore(%arg18 : memref<!tpu.dma_semaphore, #tpu.memory_space<semaphore_mem>>)
      } else {
      }
      %add3A_260 = arith.constant 2 : i32
      %add3A_261 = arith.addi %add3A_254, %add3A_260 : i32
      %lt3A_262 = arith.constant 256 : i32
      %lt3A_263 = arith.cmpi slt, %add3A_261, %lt3A_262 : i32
      %convert_element_type3A_264 = arith.extui %lt3A_263 : i1 to i32
      %cond3A_265 = arith.constant 0 : i32
      %cond3A_266 = arith.cmpi ne, %convert_element_type3A_264, %cond3A_265 : i32
      scf.if %cond3A_266 {
        %add3A_421 = arith.constant 2 : i32
        %add3A_422 = arith.addi %add3A_254, %add3A_421 : i32
        %mul3A_423 = arith.constant 400 : i32
        %mul3A_424 = arith.muli %add3A_422, %mul3A_423 : i32
        %add3A_425 = arith.addi %mul3A_2, %mul3A_424 : i32
        %dma_start3A_426 = arith.constant 3 : i32
        %dma_start3A_427 = arith.constant 0 : i32
        %dma_start3A_428 = tpu.memref_slice %arg5[%dma_start3A_426, %dma_start3A_427] : memref<4x400xi32, #tpu.memory_space<vmem>> -> memref<1x400xi32, #tpu.memory_space<vmem>>
        %dma_start3A_429 = tpu.memref_squeeze %dma_start3A_428 : memref<1x400xi32, #tpu.memory_space<vmem>> -> memref<400xi32, #tpu.memory_space<vmem>>
        %dma_start3A_430 = tpu.memref_slice %arg3[%add3A_425] : memref<3276800xi32, #tpu.memory_space<hbm>> -> memref<400xi32, #tpu.memory_space<hbm>>
        %dma_start3A_431 = arith.constant 0 : i32
        %dma_start3A_432 = tpu.memref_slice %arg5[%dma_start3A_426, %dma_start3A_431] : memref<4x400xi32, #tpu.memory_space<vmem>> -> memref<1x400xi32, #tpu.memory_space<vmem>>
        %dma_start3A_433 = tpu.memref_squeeze %dma_start3A_432 : memref<1x400xi32, #tpu.memory_space<vmem>> -> memref<400xi32, #tpu.memory_space<vmem>>
        %dma_start3A_434 = tpu.memref_slice %arg3[%add3A_425] : memref<3276800xi32, #tpu.memory_space<hbm>> -> memref<400xi32, #tpu.memory_space<hbm>>
        tpu.enqueue_dma source(%dma_start3A_434 : memref<400xi32, #tpu.memory_space<hbm>>) target(%dma_start3A_433 : memref<400xi32, #tpu.memory_space<vmem>>) target_semaphore(%arg10 : memref<!tpu.dma_semaphore, #tpu.memory_space<semaphore_mem>>)
      } else {
      }
      %dma_wait3A_267 = arith.constant 1 : i32
      %dma_wait3A_268 = arith.constant 0 : i32
      %dma_wait3A_269 = tpu.memref_slice %arg5[%dma_wait3A_267, %dma_wait3A_268] : memref<4x400xi32, #tpu.memory_space<vmem>> -> memref<1x400xi32, #tpu.memory_space<vmem>>
      %dma_wait3A_270 = tpu.memref_squeeze %dma_wait3A_269 : memref<1x400xi32, #tpu.memory_space<vmem>> -> memref<400xi32, #tpu.memory_space<vmem>>
      %dma_wait3A_271 = arith.constant 0 : i32
      %dma_wait3A_272 = tpu.memref_slice %arg3[%dma_wait3A_271] : memref<3276800xi32, #tpu.memory_space<hbm>> -> memref<400xi32, #tpu.memory_space<hbm>>
      %dma_wait3A_273 = arith.constant 0 : i32
      %dma_wait3A_274 = tpu.memref_slice %arg5[%dma_wait3A_267, %dma_wait3A_273] : memref<4x400xi32, #tpu.memory_space<vmem>> -> memref<1x400xi32, #tpu.memory_space<vmem>>
      %dma_wait3A_275 = tpu.memref_squeeze %dma_wait3A_274 : memref<1x400xi32, #tpu.memory_space<vmem>> -> memref<400xi32, #tpu.memory_space<vmem>>
      %dma_wait3A_276 = arith.constant 0 : i32
      %dma_wait3A_277 = tpu.memref_slice %arg3[%dma_wait3A_276] : memref<3276800xi32, #tpu.memory_space<hbm>> -> memref<400xi32, #tpu.memory_space<hbm>>
      tpu.wait_dma2 semaphore(%arg8 : memref<!tpu.dma_semaphore, #tpu.memory_space<semaphore_mem>>) src(%dma_wait3A_277 : memref<400xi32, #tpu.memory_space<hbm>>) dst(%dma_wait3A_275 : memref<400xi32, #tpu.memory_space<vmem>>)
      %gt3A_278 = arith.constant 3 : i32
      %gt3A_279 = arith.cmpi sgt, %add3A_254, %gt3A_278 : i32
      %convert_element_type3A_280 = arith.extui %gt3A_279 : i1 to i32
      %cond3A_281 = arith.constant 0 : i32
      %cond3A_282 = arith.cmpi ne, %convert_element_type3A_280, %cond3A_281 : i32
      scf.if %cond3A_282 {
        %dma_wait3A_421 = arith.constant 1 : i32
        %dma_wait3A_422 = arith.constant 0 : i32
        %dma_wait3A_423 = arith.constant 0 : i32
        %dma_wait3A_424 = arith.constant 0 : i32
        %dma_wait3A_425 = tpu.memref_slice %arg6[%dma_wait3A_421, %dma_wait3A_422, %dma_wait3A_423, %dma_wait3A_424] : memref<4x2x200x64xf32, #tpu.memory_space<vmem>> -> memref<1x2x200x64xf32, #tpu.memory_space<vmem>>
        %dma_wait3A_426 = tpu.memref_squeeze %dma_wait3A_425 : memref<1x2x200x64xf32, #tpu.memory_space<vmem>> -> memref<2x200x64xf32, #tpu.memory_space<vmem>>
        %dma_wait3A_427 = arith.constant 0 : i32
        %dma_wait3A_428 = arith.constant 0 : i32
        %dma_wait3A_429 = arith.constant 0 : i32
        %dma_wait3A_430 = tpu.memref_slice %arg4[%dma_wait3A_427, %dma_wait3A_428, %dma_wait3A_429] : memref<16384x200x128xf32, #tpu.memory_space<hbm>> -> memref<2x200x64xf32, #tpu.memory_space<hbm>>
        %dma_wait3A_431 = arith.constant 0 : i32
        %dma_wait3A_432 = arith.constant 0 : i32
        %dma_wait3A_433 = arith.constant 0 : i32
        %dma_wait3A_434 = tpu.memref_slice %arg4[%dma_wait3A_431, %dma_wait3A_432, %dma_wait3A_433] : memref<16384x200x128xf32, #tpu.memory_space<hbm>> -> memref<2x200x64xf32, #tpu.memory_space<hbm>>
        %dma_wait3A_435 = arith.constant 0 : i32
        %dma_wait3A_436 = arith.constant 0 : i32
        %dma_wait3A_437 = arith.constant 0 : i32
        %dma_wait3A_438 = tpu.memref_slice %arg6[%dma_wait3A_421, %dma_wait3A_435, %dma_wait3A_436, %dma_wait3A_437] : memref<4x2x200x64xf32, #tpu.memory_space<vmem>> -> memref<1x2x200x64xf32, #tpu.memory_space<vmem>>
        %dma_wait3A_439 = tpu.memref_squeeze %dma_wait3A_438 : memref<1x2x200x64xf32, #tpu.memory_space<vmem>> -> memref<2x200x64xf32, #tpu.memory_space<vmem>>
        tpu.wait_dma2 semaphore(%arg16 : memref<!tpu.dma_semaphore, #tpu.memory_space<semaphore_mem>>) src(%dma_wait3A_439 : memref<2x200x64xf32, #tpu.memory_space<vmem>>) dst(%dma_wait3A_434 : memref<2x200x64xf32, #tpu.memory_space<hbm>>)
      } else {
      }
      %dma_start3A_283 = arith.constant 1 : i32
      %dma_start3A_284 = arith.constant 1 : i32
      %dma_start3A_285 = arith.constant 0 : i32
      %dma_start3A_286 = arith.constant 0 : i32
      %dma_start3A_287 = arith.constant 0 : i32
      %dma_start3A_288 = tpu.memref_slice %arg6[%dma_start3A_284, %dma_start3A_285, %dma_start3A_286, %dma_start3A_287] : memref<4x2x200x64xf32, #tpu.memory_space<vmem>> -> memref<1x1x200x64xf32, #tpu.memory_space<vmem>>
      %dma_start3A_289 = tpu.memref_squeeze %dma_start3A_288 : memref<1x1x200x64xf32, #tpu.memory_space<vmem>> -> memref<200x64xf32, #tpu.memory_space<vmem>>
      %dma_start3A_290 = arith.constant 0 : i32
      %dma_start3A_291 = tpu.memref_slice %arg5[%dma_start3A_283, %dma_start3A_290] : memref<4x400xi32, #tpu.memory_space<vmem>> -> memref<1x200xi32, #tpu.memory_space<vmem>>
      %dma_start3A_292 = tpu.memref_squeeze %dma_start3A_291 : memref<1x200xi32, #tpu.memory_space<vmem>> -> memref<200xi32, #tpu.memory_space<vmem>>
      %dma_start3A_293 = arith.constant 0 : i32
      %dma_start3A_294 = arith.constant 0 : i32
      %dma_start3A_295 = tpu.memref_slice %arg2[%dma_start3A_293, %dma_start3A_294] : memref<1000000x64xf32, #tpu.memory_space<hbm>> -> memref<1000000x64xf32, #tpu.memory_space<hbm>>
      tpu.enqueue_indirect_dma source(%dma_start3A_295 : memref<1000000x64xf32, #tpu.memory_space<hbm>>) target(%dma_start3A_289 : memref<200x64xf32, #tpu.memory_space<vmem>>) offsets(%dma_start3A_292 : memref<200xi32, #tpu.memory_space<vmem>>) semaphore(%arg12 : memref<!tpu.dma_semaphore, #tpu.memory_space<semaphore_mem>>)
      %dma_start3A_296 = arith.constant 1 : i32
      %dma_start3A_297 = arith.constant 1 : i32
      %dma_start3A_298 = arith.constant 1 : i32
      %dma_start3A_299 = arith.constant 0 : i32
      %dma_start3A_300 = arith.constant 0 : i32
      %dma_start3A_301 = tpu.memref_slice %arg6[%dma_start3A_297, %dma_start3A_298, %dma_start3A_299, %dma_start3A_300] : memref<4x2x200x64xf32, #tpu.memory_space<vmem>> -> memref<1x1x200x64xf32, #tpu.memory_space<vmem>>
      %dma_start3A_302 = tpu.memref_squeeze %dma_start3A_301 : memref<1x1x200x64xf32, #tpu.memory_space<vmem>> -> memref<200x64xf32, #tpu.memory_space<vmem>>
      %dma_start3A_303 = arith.constant 200 : i32
      %dma_start3A_304 = tpu.memref_slice %arg5[%dma_start3A_296, %dma_start3A_303] : memref<4x400xi32, #tpu.memory_space<vmem>> -> memref<1x200xi32, #tpu.memory_space<vmem>>
      %dma_start3A_305 = tpu.memref_squeeze %dma_start3A_304 : memref<1x200xi32, #tpu.memory_space<vmem>> -> memref<200xi32, #tpu.memory_space<vmem>>
      %dma_start3A_306 = arith.constant 0 : i32
      %dma_start3A_307 = arith.constant 0 : i32
      %dma_start3A_308 = tpu.memref_slice %arg2[%dma_start3A_306, %dma_start3A_307] : memref<1000000x64xf32, #tpu.memory_space<hbm>> -> memref<1000000x64xf32, #tpu.memory_space<hbm>>
      tpu.enqueue_indirect_dma source(%dma_start3A_308 : memref<1000000x64xf32, #tpu.memory_space<hbm>>) target(%dma_start3A_302 : memref<200x64xf32, #tpu.memory_space<vmem>>) offsets(%dma_start3A_305 : memref<200xi32, #tpu.memory_space<vmem>>) semaphore(%arg12 : memref<!tpu.dma_semaphore, #tpu.memory_space<semaphore_mem>>)
      %add3A_309 = arith.constant 2 : i32
      %add3A_310 = arith.addi %mul3A_200, %add3A_309 : i32
      %gt3A_311 = arith.constant 1 : i32
      %gt3A_312 = arith.cmpi sgt, %add3A_310, %gt3A_311 : i32
      %convert_element_type3A_313 = arith.extui %gt3A_312 : i1 to i32
      %cond3A_314 = arith.constant 0 : i32
      %cond3A_315 = arith.cmpi ne, %convert_element_type3A_313, %cond3A_314 : i32
      scf.if %cond3A_315 {
        %dma_wait3A_421 = arith.constant 0 : i32
        %dma_wait3A_422 = arith.constant 0 : i32
        %dma_wait3A_423 = arith.constant 0 : i32
        %dma_wait3A_424 = arith.constant 0 : i32
        %dma_wait3A_425 = arith.constant 0 : i32
        %dma_wait3A_426 = tpu.memref_slice %arg6[%dma_wait3A_422, %dma_wait3A_423, %dma_wait3A_424, %dma_wait3A_425] : memref<4x2x200x64xf32, #tpu.memory_space<vmem>> -> memref<1x1x200x64xf32, #tpu.memory_space<vmem>>
        %dma_wait3A_427 = tpu.memref_squeeze %dma_wait3A_426 : memref<1x1x200x64xf32, #tpu.memory_space<vmem>> -> memref<200x64xf32, #tpu.memory_space<vmem>>
        %dma_wait3A_428 = arith.constant 0 : i32
        %dma_wait3A_429 = tpu.memref_slice %arg5[%dma_wait3A_421, %dma_wait3A_428] : memref<4x400xi32, #tpu.memory_space<vmem>> -> memref<1x200xi32, #tpu.memory_space<vmem>>
        %dma_wait3A_430 = tpu.memref_squeeze %dma_wait3A_429 : memref<1x200xi32, #tpu.memory_space<vmem>> -> memref<200xi32, #tpu.memory_space<vmem>>
        %dma_wait3A_431 = arith.constant 0 : i32
        %dma_wait3A_432 = arith.constant 0 : i32
        %dma_wait3A_433 = tpu.memref_slice %arg2[%dma_wait3A_431, %dma_wait3A_432] : memref<1000000x64xf32, #tpu.memory_space<hbm>> -> memref<1000000x64xf32, #tpu.memory_space<hbm>>
        tpu.wait_indirect_dma semaphore(%arg11 : memref<!tpu.dma_semaphore, #tpu.memory_space<semaphore_mem>>) src(%dma_wait3A_433 : memref<1000000x64xf32, #tpu.memory_space<hbm>>) dst(%dma_wait3A_427 : memref<200x64xf32, #tpu.memory_space<vmem>>)
        %dma_wait3A_434 = arith.constant 0 : i32
        %dma_wait3A_435 = arith.constant 0 : i32
        %dma_wait3A_436 = arith.constant 1 : i32
        %dma_wait3A_437 = arith.constant 0 : i32
        %dma_wait3A_438 = arith.constant 0 : i32
        %dma_wait3A_439 = tpu.memref_slice %arg6[%dma_wait3A_435, %dma_wait3A_436, %dma_wait3A_437, %dma_wait3A_438] : memref<4x2x200x64xf32, #tpu.memory_space<vmem>> -> memref<1x1x200x64xf32, #tpu.memory_space<vmem>>
        %dma_wait3A_440 = tpu.memref_squeeze %dma_wait3A_439 : memref<1x1x200x64xf32, #tpu.memory_space<vmem>> -> memref<200x64xf32, #tpu.memory_space<vmem>>
        %dma_wait3A_441 = arith.constant 200 : i32
        %dma_wait3A_442 = tpu.memref_slice %arg5[%dma_wait3A_434, %dma_wait3A_441] : memref<4x400xi32, #tpu.memory_space<vmem>> -> memref<1x200xi32, #tpu.memory_space<vmem>>
        %dma_wait3A_443 = tpu.memref_squeeze %dma_wait3A_442 : memref<1x200xi32, #tpu.memory_space<vmem>> -> memref<200xi32, #tpu.memory_space<vmem>>
        %dma_wait3A_444 = arith.constant 0 : i32
        %dma_wait3A_445 = arith.constant 0 : i32
        %dma_wait3A_446 = tpu.memref_slice %arg2[%dma_wait3A_444, %dma_wait3A_445] : memref<1000000x64xf32, #tpu.memory_space<hbm>> -> memref<1000000x64xf32, #tpu.memory_space<hbm>>
        tpu.wait_indirect_dma semaphore(%arg11 : memref<!tpu.dma_semaphore, #tpu.memory_space<semaphore_mem>>) src(%dma_wait3A_446 : memref<1000000x64xf32, #tpu.memory_space<hbm>>) dst(%dma_wait3A_440 : memref<200x64xf32, #tpu.memory_space<vmem>>)
        %sub3A = arith.constant 2 : i32
        %sub3A_447 = arith.subi %add3A_310, %sub3A : i32
        %mul3A_448 = arith.constant 512 : i32
        %mul3A_449 = arith.muli %add3A, %mul3A_448 : i32
        %mul3A_450 = arith.constant 2 : i32
        %mul3A_451 = arith.muli %sub3A_447, %mul3A_450 : i32
        %add3A_452 = arith.addi %mul3A_449, %mul3A_451 : i32
        %dma_start3A_453 = arith.constant 0 : i32
        %dma_start3A_454 = arith.constant 0 : i32
        %dma_start3A_455 = arith.constant 0 : i32
        %dma_start3A_456 = arith.constant 0 : i32
        %dma_start3A_457 = tpu.memref_slice %arg6[%dma_start3A_453, %dma_start3A_454, %dma_start3A_455, %dma_start3A_456] : memref<4x2x200x64xf32, #tpu.memory_space<vmem>> -> memref<1x2x200x64xf32, #tpu.memory_space<vmem>>
        %dma_start3A_458 = tpu.memref_squeeze %dma_start3A_457 : memref<1x2x200x64xf32, #tpu.memory_space<vmem>> -> memref<2x200x64xf32, #tpu.memory_space<vmem>>
        %dma_start3A_459 = arith.constant 0 : i32
        %dma_start3A_460 = arith.constant 0 : i32
        %dma_start3A_461 = tpu.memref_slice %arg4[%add3A_452, %dma_start3A_459, %dma_start3A_460] : memref<16384x200x128xf32, #tpu.memory_space<hbm>> -> memref<2x200x64xf32, #tpu.memory_space<hbm>>
        %dma_start3A_462 = arith.constant 0 : i32
        %dma_start3A_463 = arith.constant 0 : i32
        %dma_start3A_464 = tpu.memref_slice %arg4[%add3A_452, %dma_start3A_462, %dma_start3A_463] : memref<16384x200x128xf32, #tpu.memory_space<hbm>> -> memref<2x200x64xf32, #tpu.memory_space<hbm>>
        %dma_start3A_465 = arith.constant 0 : i32
        %dma_start3A_466 = arith.constant 0 : i32
        %dma_start3A_467 = arith.constant 0 : i32
        %dma_start3A_468 = tpu.memref_slice %arg6[%dma_start3A_453, %dma_start3A_465, %dma_start3A_466, %dma_start3A_467] : memref<4x2x200x64xf32, #tpu.memory_space<vmem>> -> memref<1x2x200x64xf32, #tpu.memory_space<vmem>>
        %dma_start3A_469 = tpu.memref_squeeze %dma_start3A_468 : memref<1x2x200x64xf32, #tpu.memory_space<vmem>> -> memref<2x200x64xf32, #tpu.memory_space<vmem>>
        tpu.enqueue_dma source(%dma_start3A_469 : memref<2x200x64xf32, #tpu.memory_space<vmem>>) target(%dma_start3A_464 : memref<2x200x64xf32, #tpu.memory_space<hbm>>) target_semaphore(%arg15 : memref<!tpu.dma_semaphore, #tpu.memory_space<semaphore_mem>>)
      } else {
      }
      %add3A_316 = arith.constant 2 : i32
      %add3A_317 = arith.addi %add3A_310, %add3A_316 : i32
      %lt3A_318 = arith.constant 256 : i32
      %lt3A_319 = arith.cmpi slt, %add3A_317, %lt3A_318 : i32
      %convert_element_type3A_320 = arith.extui %lt3A_319 : i1 to i32
      %cond3A_321 = arith.constant 0 : i32
      %cond3A_322 = arith.cmpi ne, %convert_element_type3A_320, %cond3A_321 : i32
      scf.if %cond3A_322 {
        %add3A_421 = arith.constant 2 : i32
        %add3A_422 = arith.addi %add3A_310, %add3A_421 : i32
        %mul3A_423 = arith.constant 400 : i32
        %mul3A_424 = arith.muli %add3A_422, %mul3A_423 : i32
        %add3A_425 = arith.addi %mul3A_2, %mul3A_424 : i32
        %dma_start3A_426 = arith.constant 0 : i32
        %dma_start3A_427 = arith.constant 0 : i32
        %dma_start3A_428 = tpu.memref_slice %arg5[%dma_start3A_426, %dma_start3A_427] : memref<4x400xi32, #tpu.memory_space<vmem>> -> memref<1x400xi32, #tpu.memory_space<vmem>>
        %dma_start3A_429 = tpu.memref_squeeze %dma_start3A_428 : memref<1x400xi32, #tpu.memory_space<vmem>> -> memref<400xi32, #tpu.memory_space<vmem>>
        %dma_start3A_430 = tpu.memref_slice %arg3[%add3A_425] : memref<3276800xi32, #tpu.memory_space<hbm>> -> memref<400xi32, #tpu.memory_space<hbm>>
        %dma_start3A_431 = arith.constant 0 : i32
        %dma_start3A_432 = tpu.memref_slice %arg5[%dma_start3A_426, %dma_start3A_431] : memref<4x400xi32, #tpu.memory_space<vmem>> -> memref<1x400xi32, #tpu.memory_space<vmem>>
        %dma_start3A_433 = tpu.memref_squeeze %dma_start3A_432 : memref<1x400xi32, #tpu.memory_space<vmem>> -> memref<400xi32, #tpu.memory_space<vmem>>
        %dma_start3A_434 = tpu.memref_slice %arg3[%add3A_425] : memref<3276800xi32, #tpu.memory_space<hbm>> -> memref<400xi32, #tpu.memory_space<hbm>>
        tpu.enqueue_dma source(%dma_start3A_434 : memref<400xi32, #tpu.memory_space<hbm>>) target(%dma_start3A_433 : memref<400xi32, #tpu.memory_space<vmem>>) target_semaphore(%arg7 : memref<!tpu.dma_semaphore, #tpu.memory_space<semaphore_mem>>)
      } else {
      }
      %dma_wait3A_323 = arith.constant 2 : i32
      %dma_wait3A_324 = arith.constant 0 : i32
      %dma_wait3A_325 = tpu.memref_slice %arg5[%dma_wait3A_323, %dma_wait3A_324] : memref<4x400xi32, #tpu.memory_space<vmem>> -> memref<1x400xi32, #tpu.memory_space<vmem>>
      %dma_wait3A_326 = tpu.memref_squeeze %dma_wait3A_325 : memref<1x400xi32, #tpu.memory_space<vmem>> -> memref<400xi32, #tpu.memory_space<vmem>>
      %dma_wait3A_327 = arith.constant 0 : i32
      %dma_wait3A_328 = tpu.memref_slice %arg3[%dma_wait3A_327] : memref<3276800xi32, #tpu.memory_space<hbm>> -> memref<400xi32, #tpu.memory_space<hbm>>
      %dma_wait3A_329 = arith.constant 0 : i32
      %dma_wait3A_330 = tpu.memref_slice %arg5[%dma_wait3A_323, %dma_wait3A_329] : memref<4x400xi32, #tpu.memory_space<vmem>> -> memref<1x400xi32, #tpu.memory_space<vmem>>
      %dma_wait3A_331 = tpu.memref_squeeze %dma_wait3A_330 : memref<1x400xi32, #tpu.memory_space<vmem>> -> memref<400xi32, #tpu.memory_space<vmem>>
      %dma_wait3A_332 = arith.constant 0 : i32
      %dma_wait3A_333 = tpu.memref_slice %arg3[%dma_wait3A_332] : memref<3276800xi32, #tpu.memory_space<hbm>> -> memref<400xi32, #tpu.memory_space<hbm>>
      tpu.wait_dma2 semaphore(%arg9 : memref<!tpu.dma_semaphore, #tpu.memory_space<semaphore_mem>>) src(%dma_wait3A_333 : memref<400xi32, #tpu.memory_space<hbm>>) dst(%dma_wait3A_331 : memref<400xi32, #tpu.memory_space<vmem>>)
      %gt3A_334 = arith.constant 3 : i32
      %gt3A_335 = arith.cmpi sgt, %add3A_310, %gt3A_334 : i32
      %convert_element_type3A_336 = arith.extui %gt3A_335 : i1 to i32
      %cond3A_337 = arith.constant 0 : i32
      %cond3A_338 = arith.cmpi ne, %convert_element_type3A_336, %cond3A_337 : i32
      scf.if %cond3A_338 {
        %dma_wait3A_421 = arith.constant 2 : i32
        %dma_wait3A_422 = arith.constant 0 : i32
        %dma_wait3A_423 = arith.constant 0 : i32
        %dma_wait3A_424 = arith.constant 0 : i32
        %dma_wait3A_425 = tpu.memref_slice %arg6[%dma_wait3A_421, %dma_wait3A_422, %dma_wait3A_423, %dma_wait3A_424] : memref<4x2x200x64xf32, #tpu.memory_space<vmem>> -> memref<1x2x200x64xf32, #tpu.memory_space<vmem>>
        %dma_wait3A_426 = tpu.memref_squeeze %dma_wait3A_425 : memref<1x2x200x64xf32, #tpu.memory_space<vmem>> -> memref<2x200x64xf32, #tpu.memory_space<vmem>>
        %dma_wait3A_427 = arith.constant 0 : i32
        %dma_wait3A_428 = arith.constant 0 : i32
        %dma_wait3A_429 = arith.constant 0 : i32
        %dma_wait3A_430 = tpu.memref_slice %arg4[%dma_wait3A_427, %dma_wait3A_428, %dma_wait3A_429] : memref<16384x200x128xf32, #tpu.memory_space<hbm>> -> memref<2x200x64xf32, #tpu.memory_space<hbm>>
        %dma_wait3A_431 = arith.constant 0 : i32
        %dma_wait3A_432 = arith.constant 0 : i32
        %dma_wait3A_433 = arith.constant 0 : i32
        %dma_wait3A_434 = tpu.memref_slice %arg4[%dma_wait3A_431, %dma_wait3A_432, %dma_wait3A_433] : memref<16384x200x128xf32, #tpu.memory_space<hbm>> -> memref<2x200x64xf32, #tpu.memory_space<hbm>>
        %dma_wait3A_435 = arith.constant 0 : i32
        %dma_wait3A_436 = arith.constant 0 : i32
        %dma_wait3A_437 = arith.constant 0 : i32
        %dma_wait3A_438 = tpu.memref_slice %arg6[%dma_wait3A_421, %dma_wait3A_435, %dma_wait3A_436, %dma_wait3A_437] : memref<4x2x200x64xf32, #tpu.memory_space<vmem>> -> memref<1x2x200x64xf32, #tpu.memory_space<vmem>>
        %dma_wait3A_439 = tpu.memref_squeeze %dma_wait3A_438 : memref<1x2x200x64xf32, #tpu.memory_space<vmem>> -> memref<2x200x64xf32, #tpu.memory_space<vmem>>
        tpu.wait_dma2 semaphore(%arg17 : memref<!tpu.dma_semaphore, #tpu.memory_space<semaphore_mem>>) src(%dma_wait3A_439 : memref<2x200x64xf32, #tpu.memory_space<vmem>>) dst(%dma_wait3A_434 : memref<2x200x64xf32, #tpu.memory_space<hbm>>)
      } else {
      }
      %dma_start3A_339 = arith.constant 2 : i32
      %dma_start3A_340 = arith.constant 2 : i32
      %dma_start3A_341 = arith.constant 0 : i32
      %dma_start3A_342 = arith.constant 0 : i32
      %dma_start3A_343 = arith.constant 0 : i32
      %dma_start3A_344 = tpu.memref_slice %arg6[%dma_start3A_340, %dma_start3A_341, %dma_start3A_342, %dma_start3A_343] : memref<4x2x200x64xf32, #tpu.memory_space<vmem>> -> memref<1x1x200x64xf32, #tpu.memory_space<vmem>>
      %dma_start3A_345 = tpu.memref_squeeze %dma_start3A_344 : memref<1x1x200x64xf32, #tpu.memory_space<vmem>> -> memref<200x64xf32, #tpu.memory_space<vmem>>
      %dma_start3A_346 = arith.constant 0 : i32
      %dma_start3A_347 = tpu.memref_slice %arg5[%dma_start3A_339, %dma_start3A_346] : memref<4x400xi32, #tpu.memory_space<vmem>> -> memref<1x200xi32, #tpu.memory_space<vmem>>
      %dma_start3A_348 = tpu.memref_squeeze %dma_start3A_347 : memref<1x200xi32, #tpu.memory_space<vmem>> -> memref<200xi32, #tpu.memory_space<vmem>>
      %dma_start3A_349 = arith.constant 0 : i32
      %dma_start3A_350 = arith.constant 0 : i32
      %dma_start3A_351 = tpu.memref_slice %arg2[%dma_start3A_349, %dma_start3A_350] : memref<1000000x64xf32, #tpu.memory_space<hbm>> -> memref<1000000x64xf32, #tpu.memory_space<hbm>>
      tpu.enqueue_indirect_dma source(%dma_start3A_351 : memref<1000000x64xf32, #tpu.memory_space<hbm>>) target(%dma_start3A_345 : memref<200x64xf32, #tpu.memory_space<vmem>>) offsets(%dma_start3A_348 : memref<200xi32, #tpu.memory_space<vmem>>) semaphore(%arg13 : memref<!tpu.dma_semaphore, #tpu.memory_space<semaphore_mem>>)
      %dma_start3A_352 = arith.constant 2 : i32
      %dma_start3A_353 = arith.constant 2 : i32
      %dma_start3A_354 = arith.constant 1 : i32
      %dma_start3A_355 = arith.constant 0 : i32
      %dma_start3A_356 = arith.constant 0 : i32
      %dma_start3A_357 = tpu.memref_slice %arg6[%dma_start3A_353, %dma_start3A_354, %dma_start3A_355, %dma_start3A_356] : memref<4x2x200x64xf32, #tpu.memory_space<vmem>> -> memref<1x1x200x64xf32, #tpu.memory_space<vmem>>
      %dma_start3A_358 = tpu.memref_squeeze %dma_start3A_357 : memref<1x1x200x64xf32, #tpu.memory_space<vmem>> -> memref<200x64xf32, #tpu.memory_space<vmem>>
      %dma_start3A_359 = arith.constant 200 : i32
      %dma_start3A_360 = tpu.memref_slice %arg5[%dma_start3A_352, %dma_start3A_359] : memref<4x400xi32, #tpu.memory_space<vmem>> -> memref<1x200xi32, #tpu.memory_space<vmem>>
      %dma_start3A_361 = tpu.memref_squeeze %dma_start3A_360 : memref<1x200xi32, #tpu.memory_space<vmem>> -> memref<200xi32, #tpu.memory_space<vmem>>
      %dma_start3A_362 = arith.constant 0 : i32
      %dma_start3A_363 = arith.constant 0 : i32
      %dma_start3A_364 = tpu.memref_slice %arg2[%dma_start3A_362, %dma_start3A_363] : memref<1000000x64xf32, #tpu.memory_space<hbm>> -> memref<1000000x64xf32, #tpu.memory_space<hbm>>
      tpu.enqueue_indirect_dma source(%dma_start3A_364 : memref<1000000x64xf32, #tpu.memory_space<hbm>>) target(%dma_start3A_358 : memref<200x64xf32, #tpu.memory_space<vmem>>) offsets(%dma_start3A_361 : memref<200xi32, #tpu.memory_space<vmem>>) semaphore(%arg13 : memref<!tpu.dma_semaphore, #tpu.memory_space<semaphore_mem>>)
      %add3A_365 = arith.constant 3 : i32
      %add3A_366 = arith.addi %mul3A_200, %add3A_365 : i32
      %gt3A_367 = arith.constant 1 : i32
      %gt3A_368 = arith.cmpi sgt, %add3A_366, %gt3A_367 : i32
      %convert_element_type3A_369 = arith.extui %gt3A_368 : i1 to i32
      %cond3A_370 = arith.constant 0 : i32
      %cond3A_371 = arith.cmpi ne, %convert_element_type3A_369, %cond3A_370 : i32
      scf.if %cond3A_371 {
        %dma_wait3A_421 = arith.constant 1 : i32
        %dma_wait3A_422 = arith.constant 1 : i32
        %dma_wait3A_423 = arith.constant 0 : i32
        %dma_wait3A_424 = arith.constant 0 : i32
        %dma_wait3A_425 = arith.constant 0 : i32
        %dma_wait3A_426 = tpu.memref_slice %arg6[%dma_wait3A_422, %dma_wait3A_423, %dma_wait3A_424, %dma_wait3A_425] : memref<4x2x200x64xf32, #tpu.memory_space<vmem>> -> memref<1x1x200x64xf32, #tpu.memory_space<vmem>>
        %dma_wait3A_427 = tpu.memref_squeeze %dma_wait3A_426 : memref<1x1x200x64xf32, #tpu.memory_space<vmem>> -> memref<200x64xf32, #tpu.memory_space<vmem>>
        %dma_wait3A_428 = arith.constant 0 : i32
        %dma_wait3A_429 = tpu.memref_slice %arg5[%dma_wait3A_421, %dma_wait3A_428] : memref<4x400xi32, #tpu.memory_space<vmem>> -> memref<1x200xi32, #tpu.memory_space<vmem>>
        %dma_wait3A_430 = tpu.memref_squeeze %dma_wait3A_429 : memref<1x200xi32, #tpu.memory_space<vmem>> -> memref<200xi32, #tpu.memory_space<vmem>>
        %dma_wait3A_431 = arith.constant 0 : i32
        %dma_wait3A_432 = arith.constant 0 : i32
        %dma_wait3A_433 = tpu.memref_slice %arg2[%dma_wait3A_431, %dma_wait3A_432] : memref<1000000x64xf32, #tpu.memory_space<hbm>> -> memref<1000000x64xf32, #tpu.memory_space<hbm>>
        tpu.wait_indirect_dma semaphore(%arg12 : memref<!tpu.dma_semaphore, #tpu.memory_space<semaphore_mem>>) src(%dma_wait3A_433 : memref<1000000x64xf32, #tpu.memory_space<hbm>>) dst(%dma_wait3A_427 : memref<200x64xf32, #tpu.memory_space<vmem>>)
        %dma_wait3A_434 = arith.constant 1 : i32
        %dma_wait3A_435 = arith.constant 1 : i32
        %dma_wait3A_436 = arith.constant 1 : i32
        %dma_wait3A_437 = arith.constant 0 : i32
        %dma_wait3A_438 = arith.constant 0 : i32
        %dma_wait3A_439 = tpu.memref_slice %arg6[%dma_wait3A_435, %dma_wait3A_436, %dma_wait3A_437, %dma_wait3A_438] : memref<4x2x200x64xf32, #tpu.memory_space<vmem>> -> memref<1x1x200x64xf32, #tpu.memory_space<vmem>>
        %dma_wait3A_440 = tpu.memref_squeeze %dma_wait3A_439 : memref<1x1x200x64xf32, #tpu.memory_space<vmem>> -> memref<200x64xf32, #tpu.memory_space<vmem>>
        %dma_wait3A_441 = arith.constant 200 : i32
        %dma_wait3A_442 = tpu.memref_slice %arg5[%dma_wait3A_434, %dma_wait3A_441] : memref<4x400xi32, #tpu.memory_space<vmem>> -> memref<1x200xi32, #tpu.memory_space<vmem>>
        %dma_wait3A_443 = tpu.memref_squeeze %dma_wait3A_442 : memref<1x200xi32, #tpu.memory_space<vmem>> -> memref<200xi32, #tpu.memory_space<vmem>>
        %dma_wait3A_444 = arith.constant 0 : i32
        %dma_wait3A_445 = arith.constant 0 : i32
        %dma_wait3A_446 = tpu.memref_slice %arg2[%dma_wait3A_444, %dma_wait3A_445] : memref<1000000x64xf32, #tpu.memory_space<hbm>> -> memref<1000000x64xf32, #tpu.memory_space<hbm>>
        tpu.wait_indirect_dma semaphore(%arg12 : memref<!tpu.dma_semaphore, #tpu.memory_space<semaphore_mem>>) src(%dma_wait3A_446 : memref<1000000x64xf32, #tpu.memory_space<hbm>>) dst(%dma_wait3A_440 : memref<200x64xf32, #tpu.memory_space<vmem>>)
        %sub3A = arith.constant 2 : i32
        %sub3A_447 = arith.subi %add3A_366, %sub3A : i32
        %mul3A_448 = arith.constant 512 : i32
        %mul3A_449 = arith.muli %add3A, %mul3A_448 : i32
        %mul3A_450 = arith.constant 2 : i32
        %mul3A_451 = arith.muli %sub3A_447, %mul3A_450 : i32
        %add3A_452 = arith.addi %mul3A_449, %mul3A_451 : i32
        %dma_start3A_453 = arith.constant 1 : i32
        %dma_start3A_454 = arith.constant 0 : i32
        %dma_start3A_455 = arith.constant 0 : i32
        %dma_start3A_456 = arith.constant 0 : i32
        %dma_start3A_457 = tpu.memref_slice %arg6[%dma_start3A_453, %dma_start3A_454, %dma_start3A_455, %dma_start3A_456] : memref<4x2x200x64xf32, #tpu.memory_space<vmem>> -> memref<1x2x200x64xf32, #tpu.memory_space<vmem>>
        %dma_start3A_458 = tpu.memref_squeeze %dma_start3A_457 : memref<1x2x200x64xf32, #tpu.memory_space<vmem>> -> memref<2x200x64xf32, #tpu.memory_space<vmem>>
        %dma_start3A_459 = arith.constant 0 : i32
        %dma_start3A_460 = arith.constant 0 : i32
        %dma_start3A_461 = tpu.memref_slice %arg4[%add3A_452, %dma_start3A_459, %dma_start3A_460] : memref<16384x200x128xf32, #tpu.memory_space<hbm>> -> memref<2x200x64xf32, #tpu.memory_space<hbm>>
        %dma_start3A_462 = arith.constant 0 : i32
        %dma_start3A_463 = arith.constant 0 : i32
        %dma_start3A_464 = tpu.memref_slice %arg4[%add3A_452, %dma_start3A_462, %dma_start3A_463] : memref<16384x200x128xf32, #tpu.memory_space<hbm>> -> memref<2x200x64xf32, #tpu.memory_space<hbm>>
        %dma_start3A_465 = arith.constant 0 : i32
        %dma_start3A_466 = arith.constant 0 : i32
        %dma_start3A_467 = arith.constant 0 : i32
        %dma_start3A_468 = tpu.memref_slice %arg6[%dma_start3A_453, %dma_start3A_465, %dma_start3A_466, %dma_start3A_467] : memref<4x2x200x64xf32, #tpu.memory_space<vmem>> -> memref<1x2x200x64xf32, #tpu.memory_space<vmem>>
        %dma_start3A_469 = tpu.memref_squeeze %dma_start3A_468 : memref<1x2x200x64xf32, #tpu.memory_space<vmem>> -> memref<2x200x64xf32, #tpu.memory_space<vmem>>
        tpu.enqueue_dma source(%dma_start3A_469 : memref<2x200x64xf32, #tpu.memory_space<vmem>>) target(%dma_start3A_464 : memref<2x200x64xf32, #tpu.memory_space<hbm>>) target_semaphore(%arg16 : memref<!tpu.dma_semaphore, #tpu.memory_space<semaphore_mem>>)
      } else {
      }
      %add3A_372 = arith.constant 2 : i32
      %add3A_373 = arith.addi %add3A_366, %add3A_372 : i32
      %lt3A_374 = arith.constant 256 : i32
      %lt3A_375 = arith.cmpi slt, %add3A_373, %lt3A_374 : i32
      %convert_element_type3A_376 = arith.extui %lt3A_375 : i1 to i32
      %cond3A_377 = arith.constant 0 : i32
      %cond3A_378 = arith.cmpi ne, %convert_element_type3A_376, %cond3A_377 : i32
      scf.if %cond3A_378 {
        %add3A_421 = arith.constant 2 : i32
        %add3A_422 = arith.addi %add3A_366, %add3A_421 : i32
        %mul3A_423 = arith.constant 400 : i32
        %mul3A_424 = arith.muli %add3A_422, %mul3A_423 : i32
        %add3A_425 = arith.addi %mul3A_2, %mul3A_424 : i32
        %dma_start3A_426 = arith.constant 1 : i32
        %dma_start3A_427 = arith.constant 0 : i32
        %dma_start3A_428 = tpu.memref_slice %arg5[%dma_start3A_426, %dma_start3A_427] : memref<4x400xi32, #tpu.memory_space<vmem>> -> memref<1x400xi32, #tpu.memory_space<vmem>>
        %dma_start3A_429 = tpu.memref_squeeze %dma_start3A_428 : memref<1x400xi32, #tpu.memory_space<vmem>> -> memref<400xi32, #tpu.memory_space<vmem>>
        %dma_start3A_430 = tpu.memref_slice %arg3[%add3A_425] : memref<3276800xi32, #tpu.memory_space<hbm>> -> memref<400xi32, #tpu.memory_space<hbm>>
        %dma_start3A_431 = arith.constant 0 : i32
        %dma_start3A_432 = tpu.memref_slice %arg5[%dma_start3A_426, %dma_start3A_431] : memref<4x400xi32, #tpu.memory_space<vmem>> -> memref<1x400xi32, #tpu.memory_space<vmem>>
        %dma_start3A_433 = tpu.memref_squeeze %dma_start3A_432 : memref<1x400xi32, #tpu.memory_space<vmem>> -> memref<400xi32, #tpu.memory_space<vmem>>
        %dma_start3A_434 = tpu.memref_slice %arg3[%add3A_425] : memref<3276800xi32, #tpu.memory_space<hbm>> -> memref<400xi32, #tpu.memory_space<hbm>>
        tpu.enqueue_dma source(%dma_start3A_434 : memref<400xi32, #tpu.memory_space<hbm>>) target(%dma_start3A_433 : memref<400xi32, #tpu.memory_space<vmem>>) target_semaphore(%arg8 : memref<!tpu.dma_semaphore, #tpu.memory_space<semaphore_mem>>)
      } else {
      }
      %dma_wait3A_379 = arith.constant 3 : i32
      %dma_wait3A_380 = arith.constant 0 : i32
      %dma_wait3A_381 = tpu.memref_slice %arg5[%dma_wait3A_379, %dma_wait3A_380] : memref<4x400xi32, #tpu.memory_space<vmem>> -> memref<1x400xi32, #tpu.memory_space<vmem>>
      %dma_wait3A_382 = tpu.memref_squeeze %dma_wait3A_381 : memref<1x400xi32, #tpu.memory_space<vmem>> -> memref<400xi32, #tpu.memory_space<vmem>>
      %dma_wait3A_383 = arith.constant 0 : i32
      %dma_wait3A_384 = tpu.memref_slice %arg3[%dma_wait3A_383] : memref<3276800xi32, #tpu.memory_space<hbm>> -> memref<400xi32, #tpu.memory_space<hbm>>
      %dma_wait3A_385 = arith.constant 0 : i32
      %dma_wait3A_386 = tpu.memref_slice %arg5[%dma_wait3A_379, %dma_wait3A_385] : memref<4x400xi32, #tpu.memory_space<vmem>> -> memref<1x400xi32, #tpu.memory_space<vmem>>
      %dma_wait3A_387 = tpu.memref_squeeze %dma_wait3A_386 : memref<1x400xi32, #tpu.memory_space<vmem>> -> memref<400xi32, #tpu.memory_space<vmem>>
      %dma_wait3A_388 = arith.constant 0 : i32
      %dma_wait3A_389 = tpu.memref_slice %arg3[%dma_wait3A_388] : memref<3276800xi32, #tpu.memory_space<hbm>> -> memref<400xi32, #tpu.memory_space<hbm>>
      tpu.wait_dma2 semaphore(%arg10 : memref<!tpu.dma_semaphore, #tpu.memory_space<semaphore_mem>>) src(%dma_wait3A_389 : memref<400xi32, #tpu.memory_space<hbm>>) dst(%dma_wait3A_387 : memref<400xi32, #tpu.memory_space<vmem>>)
      %gt3A_390 = arith.constant 3 : i32
      %gt3A_391 = arith.cmpi sgt, %add3A_366, %gt3A_390 : i32
      %convert_element_type3A_392 = arith.extui %gt3A_391 : i1 to i32
      %cond3A_393 = arith.constant 0 : i32
      %cond3A_394 = arith.cmpi ne, %convert_element_type3A_392, %cond3A_393 : i32
      scf.if %cond3A_394 {
        %dma_wait3A_421 = arith.constant 3 : i32
        %dma_wait3A_422 = arith.constant 0 : i32
        %dma_wait3A_423 = arith.constant 0 : i32
        %dma_wait3A_424 = arith.constant 0 : i32
        %dma_wait3A_425 = tpu.memref_slice %arg6[%dma_wait3A_421, %dma_wait3A_422, %dma_wait3A_423, %dma_wait3A_424] : memref<4x2x200x64xf32, #tpu.memory_space<vmem>> -> memref<1x2x200x64xf32, #tpu.memory_space<vmem>>
        %dma_wait3A_426 = tpu.memref_squeeze %dma_wait3A_425 : memref<1x2x200x64xf32, #tpu.memory_space<vmem>> -> memref<2x200x64xf32, #tpu.memory_space<vmem>>
        %dma_wait3A_427 = arith.constant 0 : i32
        %dma_wait3A_428 = arith.constant 0 : i32
        %dma_wait3A_429 = arith.constant 0 : i32
        %dma_wait3A_430 = tpu.memref_slice %arg4[%dma_wait3A_427, %dma_wait3A_428, %dma_wait3A_429] : memref<16384x200x128xf32, #tpu.memory_space<hbm>> -> memref<2x200x64xf32, #tpu.memory_space<hbm>>
        %dma_wait3A_431 = arith.constant 0 : i32
        %dma_wait3A_432 = arith.constant 0 : i32
        %dma_wait3A_433 = arith.constant 0 : i32
        %dma_wait3A_434 = tpu.memref_slice %arg4[%dma_wait3A_431, %dma_wait3A_432, %dma_wait3A_433] : memref<16384x200x128xf32, #tpu.memory_space<hbm>> -> memref<2x200x64xf32, #tpu.memory_space<hbm>>
        %dma_wait3A_435 = arith.constant 0 : i32
        %dma_wait3A_436 = arith.constant 0 : i32
        %dma_wait3A_437 = arith.constant 0 : i32
        %dma_wait3A_438 = tpu.memref_slice %arg6[%dma_wait3A_421, %dma_wait3A_435, %dma_wait3A_436, %dma_wait3A_437] : memref<4x2x200x64xf32, #tpu.memory_space<vmem>> -> memref<1x2x200x64xf32, #tpu.memory_space<vmem>>
        %dma_wait3A_439 = tpu.memref_squeeze %dma_wait3A_438 : memref<1x2x200x64xf32, #tpu.memory_space<vmem>> -> memref<2x200x64xf32, #tpu.memory_space<vmem>>
        tpu.wait_dma2 semaphore(%arg18 : memref<!tpu.dma_semaphore, #tpu.memory_space<semaphore_mem>>) src(%dma_wait3A_439 : memref<2x200x64xf32, #tpu.memory_space<vmem>>) dst(%dma_wait3A_434 : memref<2x200x64xf32, #tpu.memory_space<hbm>>)
      } else {
      }
      %dma_start3A_395 = arith.constant 3 : i32
      %dma_start3A_396 = arith.constant 3 : i32
      %dma_start3A_397 = arith.constant 0 : i32
      %dma_start3A_398 = arith.constant 0 : i32
      %dma_start3A_399 = arith.constant 0 : i32
      %dma_start3A_400 = tpu.memref_slice %arg6[%dma_start3A_396, %dma_start3A_397, %dma_start3A_398, %dma_start3A_399] : memref<4x2x200x64xf32, #tpu.memory_space<vmem>> -> memref<1x1x200x64xf32, #tpu.memory_space<vmem>>
      %dma_start3A_401 = tpu.memref_squeeze %dma_start3A_400 : memref<1x1x200x64xf32, #tpu.memory_space<vmem>> -> memref<200x64xf32, #tpu.memory_space<vmem>>
      %dma_start3A_402 = arith.constant 0 : i32
      %dma_start3A_403 = tpu.memref_slice %arg5[%dma_start3A_395, %dma_start3A_402] : memref<4x400xi32, #tpu.memory_space<vmem>> -> memref<1x200xi32, #tpu.memory_space<vmem>>
      %dma_start3A_404 = tpu.memref_squeeze %dma_start3A_403 : memref<1x200xi32, #tpu.memory_space<vmem>> -> memref<200xi32, #tpu.memory_space<vmem>>
      %dma_start3A_405 = arith.constant 0 : i32
      %dma_start3A_406 = arith.constant 0 : i32
      %dma_start3A_407 = tpu.memref_slice %arg2[%dma_start3A_405, %dma_start3A_406] : memref<1000000x64xf32, #tpu.memory_space<hbm>> -> memref<1000000x64xf32, #tpu.memory_space<hbm>>
      tpu.enqueue_indirect_dma source(%dma_start3A_407 : memref<1000000x64xf32, #tpu.memory_space<hbm>>) target(%dma_start3A_401 : memref<200x64xf32, #tpu.memory_space<vmem>>) offsets(%dma_start3A_404 : memref<200xi32, #tpu.memory_space<vmem>>) semaphore(%arg14 : memref<!tpu.dma_semaphore, #tpu.memory_space<semaphore_mem>>)
      %dma_start3A_408 = arith.constant 3 : i32
      %dma_start3A_409 = arith.constant 3 : i32
      %dma_start3A_410 = arith.constant 1 : i32
      %dma_start3A_411 = arith.constant 0 : i32
      %dma_start3A_412 = arith.constant 0 : i32
      %dma_start3A_413 = tpu.memref_slice %arg6[%dma_start3A_409, %dma_start3A_410, %dma_start3A_411, %dma_start3A_412] : memref<4x2x200x64xf32, #tpu.memory_space<vmem>> -> memref<1x1x200x64xf32, #tpu.memory_space<vmem>>
      %dma_start3A_414 = tpu.memref_squeeze %dma_start3A_413 : memref<1x1x200x64xf32, #tpu.memory_space<vmem>> -> memref<200x64xf32, #tpu.memory_space<vmem>>
      %dma_start3A_415 = arith.constant 200 : i32
      %dma_start3A_416 = tpu.memref_slice %arg5[%dma_start3A_408, %dma_start3A_415] : memref<4x400xi32, #tpu.memory_space<vmem>> -> memref<1x200xi32, #tpu.memory_space<vmem>>
      %dma_start3A_417 = tpu.memref_squeeze %dma_start3A_416 : memref<1x200xi32, #tpu.memory_space<vmem>> -> memref<200xi32, #tpu.memory_space<vmem>>
      %dma_start3A_418 = arith.constant 0 : i32
      %dma_start3A_419 = arith.constant 0 : i32
      %dma_start3A_420 = tpu.memref_slice %arg2[%dma_start3A_418, %dma_start3A_419] : memref<1000000x64xf32, #tpu.memory_space<hbm>> -> memref<1000000x64xf32, #tpu.memory_space<hbm>>
      tpu.enqueue_indirect_dma source(%dma_start3A_420 : memref<1000000x64xf32, #tpu.memory_space<hbm>>) target(%dma_start3A_414 : memref<200x64xf32, #tpu.memory_space<vmem>>) offsets(%dma_start3A_417 : memref<200xi32, #tpu.memory_space<vmem>>) semaphore(%arg14 : memref<!tpu.dma_semaphore, #tpu.memory_space<semaphore_mem>>)
    }
    %scan3A_28 = arith.constant 64 : i32
    %dma_wait3A = arith.constant 2 : i32
    %dma_wait3A_29 = arith.constant 2 : i32
    %dma_wait3A_30 = arith.constant 0 : i32
    %dma_wait3A_31 = arith.constant 0 : i32
    %dma_wait3A_32 = arith.constant 0 : i32
    %dma_wait3A_33 = tpu.memref_slice %arg6[%dma_wait3A_29, %dma_wait3A_30, %dma_wait3A_31, %dma_wait3A_32] : memref<4x2x200x64xf32, #tpu.memory_space<vmem>> -> memref<1x1x200x64xf32, #tpu.memory_space<vmem>>
    %dma_wait3A_34 = tpu.memref_squeeze %dma_wait3A_33 : memref<1x1x200x64xf32, #tpu.memory_space<vmem>> -> memref<200x64xf32, #tpu.memory_space<vmem>>
    %dma_wait3A_35 = arith.constant 0 : i32
    %dma_wait3A_36 = tpu.memref_slice %arg5[%dma_wait3A, %dma_wait3A_35] : memref<4x400xi32, #tpu.memory_space<vmem>> -> memref<1x200xi32, #tpu.memory_space<vmem>>
    %dma_wait3A_37 = tpu.memref_squeeze %dma_wait3A_36 : memref<1x200xi32, #tpu.memory_space<vmem>> -> memref<200xi32, #tpu.memory_space<vmem>>
    %dma_wait3A_38 = arith.constant 0 : i32
    %dma_wait3A_39 = arith.constant 0 : i32
    %dma_wait3A_40 = tpu.memref_slice %arg2[%dma_wait3A_38, %dma_wait3A_39] : memref<1000000x64xf32, #tpu.memory_space<hbm>> -> memref<1000000x64xf32, #tpu.memory_space<hbm>>
    tpu.wait_indirect_dma semaphore(%arg13 : memref<!tpu.dma_semaphore, #tpu.memory_space<semaphore_mem>>) src(%dma_wait3A_40 : memref<1000000x64xf32, #tpu.memory_space<hbm>>) dst(%dma_wait3A_34 : memref<200x64xf32, #tpu.memory_space<vmem>>)
    %dma_wait3A_41 = arith.constant 2 : i32
    %dma_wait3A_42 = arith.constant 2 : i32
    %dma_wait3A_43 = arith.constant 1 : i32
    %dma_wait3A_44 = arith.constant 0 : i32
    %dma_wait3A_45 = arith.constant 0 : i32
    %dma_wait3A_46 = tpu.memref_slice %arg6[%dma_wait3A_42, %dma_wait3A_43, %dma_wait3A_44, %dma_wait3A_45] : memref<4x2x200x64xf32, #tpu.memory_space<vmem>> -> memref<1x1x200x64xf32, #tpu.memory_space<vmem>>
    %dma_wait3A_47 = tpu.memref_squeeze %dma_wait3A_46 : memref<1x1x200x64xf32, #tpu.memory_space<vmem>> -> memref<200x64xf32, #tpu.memory_space<vmem>>
    %dma_wait3A_48 = arith.constant 200 : i32
    %dma_wait3A_49 = tpu.memref_slice %arg5[%dma_wait3A_41, %dma_wait3A_48] : memref<4x400xi32, #tpu.memory_space<vmem>> -> memref<1x200xi32, #tpu.memory_space<vmem>>
    %dma_wait3A_50 = tpu.memref_squeeze %dma_wait3A_49 : memref<1x200xi32, #tpu.memory_space<vmem>> -> memref<200xi32, #tpu.memory_space<vmem>>
    %dma_wait3A_51 = arith.constant 0 : i32
    %dma_wait3A_52 = arith.constant 0 : i32
    %dma_wait3A_53 = tpu.memref_slice %arg2[%dma_wait3A_51, %dma_wait3A_52] : memref<1000000x64xf32, #tpu.memory_space<hbm>> -> memref<1000000x64xf32, #tpu.memory_space<hbm>>
    tpu.wait_indirect_dma semaphore(%arg13 : memref<!tpu.dma_semaphore, #tpu.memory_space<semaphore_mem>>) src(%dma_wait3A_53 : memref<1000000x64xf32, #tpu.memory_space<hbm>>) dst(%dma_wait3A_47 : memref<200x64xf32, #tpu.memory_space<vmem>>)
    %mul3A_54 = arith.constant 512 : i32
    %mul3A_55 = arith.muli %add3A, %mul3A_54 : i32
    %add3A_56 = arith.constant 508 : i32
    %add3A_57 = arith.addi %mul3A_55, %add3A_56 : i32
    %dma_start3A_58 = arith.constant 2 : i32
    %dma_start3A_59 = arith.constant 0 : i32
    %dma_start3A_60 = arith.constant 0 : i32
    %dma_start3A_61 = arith.constant 0 : i32
    %dma_start3A_62 = tpu.memref_slice %arg6[%dma_start3A_58, %dma_start3A_59, %dma_start3A_60, %dma_start3A_61] : memref<4x2x200x64xf32, #tpu.memory_space<vmem>> -> memref<1x2x200x64xf32, #tpu.memory_space<vmem>>
    %dma_start3A_63 = tpu.memref_squeeze %dma_start3A_62 : memref<1x2x200x64xf32, #tpu.memory_space<vmem>> -> memref<2x200x64xf32, #tpu.memory_space<vmem>>
    %dma_start3A_64 = arith.constant 0 : i32
    %dma_start3A_65 = arith.constant 0 : i32
    %dma_start3A_66 = tpu.memref_slice %arg4[%add3A_57, %dma_start3A_64, %dma_start3A_65] : memref<16384x200x128xf32, #tpu.memory_space<hbm>> -> memref<2x200x64xf32, #tpu.memory_space<hbm>>
    %dma_start3A_67 = arith.constant 0 : i32
    %dma_start3A_68 = arith.constant 0 : i32
    %dma_start3A_69 = tpu.memref_slice %arg4[%add3A_57, %dma_start3A_67, %dma_start3A_68] : memref<16384x200x128xf32, #tpu.memory_space<hbm>> -> memref<2x200x64xf32, #tpu.memory_space<hbm>>
    %dma_start3A_70 = arith.constant 0 : i32
    %dma_start3A_71 = arith.constant 0 : i32
    %dma_start3A_72 = arith.constant 0 : i32
    %dma_start3A_73 = tpu.memref_slice %arg6[%dma_start3A_58, %dma_start3A_70, %dma_start3A_71, %dma_start3A_72] : memref<4x2x200x64xf32, #tpu.memory_space<vmem>> -> memref<1x2x200x64xf32, #tpu.memory_space<vmem>>
    %dma_start3A_74 = tpu.memref_squeeze %dma_start3A_73 : memref<1x2x200x64xf32, #tpu.memory_space<vmem>> -> memref<2x200x64xf32, #tpu.memory_space<vmem>>
    tpu.enqueue_dma source(%dma_start3A_74 : memref<2x200x64xf32, #tpu.memory_space<vmem>>) target(%dma_start3A_69 : memref<2x200x64xf32, #tpu.memory_space<hbm>>) target_semaphore(%arg17 : memref<!tpu.dma_semaphore, #tpu.memory_space<semaphore_mem>>)
    %dma_wait3A_75 = arith.constant 3 : i32
    %dma_wait3A_76 = arith.constant 3 : i32
    %dma_wait3A_77 = arith.constant 0 : i32
    %dma_wait3A_78 = arith.constant 0 : i32
    %dma_wait3A_79 = arith.constant 0 : i32
    %dma_wait3A_80 = tpu.memref_slice %arg6[%dma_wait3A_76, %dma_wait3A_77, %dma_wait3A_78, %dma_wait3A_79] : memref<4x2x200x64xf32, #tpu.memory_space<vmem>> -> memref<1x1x200x64xf32, #tpu.memory_space<vmem>>
    %dma_wait3A_81 = tpu.memref_squeeze %dma_wait3A_80 : memref<1x1x200x64xf32, #tpu.memory_space<vmem>> -> memref<200x64xf32, #tpu.memory_space<vmem>>
    %dma_wait3A_82 = arith.constant 0 : i32
    %dma_wait3A_83 = tpu.memref_slice %arg5[%dma_wait3A_75, %dma_wait3A_82] : memref<4x400xi32, #tpu.memory_space<vmem>> -> memref<1x200xi32, #tpu.memory_space<vmem>>
    %dma_wait3A_84 = tpu.memref_squeeze %dma_wait3A_83 : memref<1x200xi32, #tpu.memory_space<vmem>> -> memref<200xi32, #tpu.memory_space<vmem>>
    %dma_wait3A_85 = arith.constant 0 : i32
    %dma_wait3A_86 = arith.constant 0 : i32
    %dma_wait3A_87 = tpu.memref_slice %arg2[%dma_wait3A_85, %dma_wait3A_86] : memref<1000000x64xf32, #tpu.memory_space<hbm>> -> memref<1000000x64xf32, #tpu.memory_space<hbm>>
    tpu.wait_indirect_dma semaphore(%arg14 : memref<!tpu.dma_semaphore, #tpu.memory_space<semaphore_mem>>) src(%dma_wait3A_87 : memref<1000000x64xf32, #tpu.memory_space<hbm>>) dst(%dma_wait3A_81 : memref<200x64xf32, #tpu.memory_space<vmem>>)
    %dma_wait3A_88 = arith.constant 3 : i32
    %dma_wait3A_89 = arith.constant 3 : i32
    %dma_wait3A_90 = arith.constant 1 : i32
    %dma_wait3A_91 = arith.constant 0 : i32
    %dma_wait3A_92 = arith.constant 0 : i32
    %dma_wait3A_93 = tpu.memref_slice %arg6[%dma_wait3A_89, %dma_wait3A_90, %dma_wait3A_91, %dma_wait3A_92] : memref<4x2x200x64xf32, #tpu.memory_space<vmem>> -> memref<1x1x200x64xf32, #tpu.memory_space<vmem>>
    %dma_wait3A_94 = tpu.memref_squeeze %dma_wait3A_93 : memref<1x1x200x64xf32, #tpu.memory_space<vmem>> -> memref<200x64xf32, #tpu.memory_space<vmem>>
    %dma_wait3A_95 = arith.constant 200 : i32
    %dma_wait3A_96 = tpu.memref_slice %arg5[%dma_wait3A_88, %dma_wait3A_95] : memref<4x400xi32, #tpu.memory_space<vmem>> -> memref<1x200xi32, #tpu.memory_space<vmem>>
    %dma_wait3A_97 = tpu.memref_squeeze %dma_wait3A_96 : memref<1x200xi32, #tpu.memory_space<vmem>> -> memref<200xi32, #tpu.memory_space<vmem>>
    %dma_wait3A_98 = arith.constant 0 : i32
    %dma_wait3A_99 = arith.constant 0 : i32
    %dma_wait3A_100 = tpu.memref_slice %arg2[%dma_wait3A_98, %dma_wait3A_99] : memref<1000000x64xf32, #tpu.memory_space<hbm>> -> memref<1000000x64xf32, #tpu.memory_space<hbm>>
    tpu.wait_indirect_dma semaphore(%arg14 : memref<!tpu.dma_semaphore, #tpu.memory_space<semaphore_mem>>) src(%dma_wait3A_100 : memref<1000000x64xf32, #tpu.memory_space<hbm>>) dst(%dma_wait3A_94 : memref<200x64xf32, #tpu.memory_space<vmem>>)
    %mul3A_101 = arith.constant 512 : i32
    %mul3A_102 = arith.muli %add3A, %mul3A_101 : i32
    %add3A_103 = arith.constant 510 : i32
    %add3A_104 = arith.addi %mul3A_102, %add3A_103 : i32
    %dma_start3A_105 = arith.constant 3 : i32
    %dma_start3A_106 = arith.constant 0 : i32
    %dma_start3A_107 = arith.constant 0 : i32
    %dma_start3A_108 = arith.constant 0 : i32
    %dma_start3A_109 = tpu.memref_slice %arg6[%dma_start3A_105, %dma_start3A_106, %dma_start3A_107, %dma_start3A_108] : memref<4x2x200x64xf32, #tpu.memory_space<vmem>> -> memref<1x2x200x64xf32, #tpu.memory_space<vmem>>
    %dma_start3A_110 = tpu.memref_squeeze %dma_start3A_109 : memref<1x2x200x64xf32, #tpu.memory_space<vmem>> -> memref<2x200x64xf32, #tpu.memory_space<vmem>>
    %dma_start3A_111 = arith.constant 0 : i32
    %dma_start3A_112 = arith.constant 0 : i32
    %dma_start3A_113 = tpu.memref_slice %arg4[%add3A_104, %dma_start3A_111, %dma_start3A_112] : memref<16384x200x128xf32, #tpu.memory_space<hbm>> -> memref<2x200x64xf32, #tpu.memory_space<hbm>>
    %dma_start3A_114 = arith.constant 0 : i32
    %dma_start3A_115 = arith.constant 0 : i32
    %dma_start3A_116 = tpu.memref_slice %arg4[%add3A_104, %dma_start3A_114, %dma_start3A_115] : memref<16384x200x128xf32, #tpu.memory_space<hbm>> -> memref<2x200x64xf32, #tpu.memory_space<hbm>>
    %dma_start3A_117 = arith.constant 0 : i32
    %dma_start3A_118 = arith.constant 0 : i32
    %dma_start3A_119 = arith.constant 0 : i32
    %dma_start3A_120 = tpu.memref_slice %arg6[%dma_start3A_105, %dma_start3A_117, %dma_start3A_118, %dma_start3A_119] : memref<4x2x200x64xf32, #tpu.memory_space<vmem>> -> memref<1x2x200x64xf32, #tpu.memory_space<vmem>>
    %dma_start3A_121 = tpu.memref_squeeze %dma_start3A_120 : memref<1x2x200x64xf32, #tpu.memory_space<vmem>> -> memref<2x200x64xf32, #tpu.memory_space<vmem>>
    tpu.enqueue_dma source(%dma_start3A_121 : memref<2x200x64xf32, #tpu.memory_space<vmem>>) target(%dma_start3A_116 : memref<2x200x64xf32, #tpu.memory_space<hbm>>) target_semaphore(%arg18 : memref<!tpu.dma_semaphore, #tpu.memory_space<semaphore_mem>>)
    %dma_wait3A_122 = arith.constant 0 : i32
    %dma_wait3A_123 = arith.constant 0 : i32
    %dma_wait3A_124 = arith.constant 0 : i32
    %dma_wait3A_125 = arith.constant 0 : i32
    %dma_wait3A_126 = tpu.memref_slice %arg6[%dma_wait3A_122, %dma_wait3A_123, %dma_wait3A_124, %dma_wait3A_125] : memref<4x2x200x64xf32, #tpu.memory_space<vmem>> -> memref<1x2x200x64xf32, #tpu.memory_space<vmem>>
    %dma_wait3A_127 = tpu.memref_squeeze %dma_wait3A_126 : memref<1x2x200x64xf32, #tpu.memory_space<vmem>> -> memref<2x200x64xf32, #tpu.memory_space<vmem>>
    %dma_wait3A_128 = arith.constant 0 : i32
    %dma_wait3A_129 = arith.constant 0 : i32
    %dma_wait3A_130 = arith.constant 0 : i32
    %dma_wait3A_131 = tpu.memref_slice %arg4[%dma_wait3A_128, %dma_wait3A_129, %dma_wait3A_130] : memref<16384x200x128xf32, #tpu.memory_space<hbm>> -> memref<2x200x64xf32, #tpu.memory_space<hbm>>
    %dma_wait3A_132 = arith.constant 0 : i32
    %dma_wait3A_133 = arith.constant 0 : i32
    %dma_wait3A_134 = arith.constant 0 : i32
    %dma_wait3A_135 = tpu.memref_slice %arg4[%dma_wait3A_132, %dma_wait3A_133, %dma_wait3A_134] : memref<16384x200x128xf32, #tpu.memory_space<hbm>> -> memref<2x200x64xf32, #tpu.memory_space<hbm>>
    %dma_wait3A_136 = arith.constant 0 : i32
    %dma_wait3A_137 = arith.constant 0 : i32
    %dma_wait3A_138 = arith.constant 0 : i32
    %dma_wait3A_139 = tpu.memref_slice %arg6[%dma_wait3A_122, %dma_wait3A_136, %dma_wait3A_137, %dma_wait3A_138] : memref<4x2x200x64xf32, #tpu.memory_space<vmem>> -> memref<1x2x200x64xf32, #tpu.memory_space<vmem>>
    %dma_wait3A_140 = tpu.memref_squeeze %dma_wait3A_139 : memref<1x2x200x64xf32, #tpu.memory_space<vmem>> -> memref<2x200x64xf32, #tpu.memory_space<vmem>>
    tpu.wait_dma2 semaphore(%arg15 : memref<!tpu.dma_semaphore, #tpu.memory_space<semaphore_mem>>) src(%dma_wait3A_140 : memref<2x200x64xf32, #tpu.memory_space<vmem>>) dst(%dma_wait3A_135 : memref<2x200x64xf32, #tpu.memory_space<hbm>>)
    %dma_wait3A_141 = arith.constant 1 : i32
    %dma_wait3A_142 = arith.constant 0 : i32
    %dma_wait3A_143 = arith.constant 0 : i32
    %dma_wait3A_144 = arith.constant 0 : i32
    %dma_wait3A_145 = tpu.memref_slice %arg6[%dma_wait3A_141, %dma_wait3A_142, %dma_wait3A_143, %dma_wait3A_144] : memref<4x2x200x64xf32, #tpu.memory_space<vmem>> -> memref<1x2x200x64xf32, #tpu.memory_space<vmem>>
    %dma_wait3A_146 = tpu.memref_squeeze %dma_wait3A_145 : memref<1x2x200x64xf32, #tpu.memory_space<vmem>> -> memref<2x200x64xf32, #tpu.memory_space<vmem>>
    %dma_wait3A_147 = arith.constant 0 : i32
    %dma_wait3A_148 = arith.constant 0 : i32
    %dma_wait3A_149 = arith.constant 0 : i32
    %dma_wait3A_150 = tpu.memref_slice %arg4[%dma_wait3A_147, %dma_wait3A_148, %dma_wait3A_149] : memref<16384x200x128xf32, #tpu.memory_space<hbm>> -> memref<2x200x64xf32, #tpu.memory_space<hbm>>
    %dma_wait3A_151 = arith.constant 0 : i32
    %dma_wait3A_152 = arith.constant 0 : i32
    %dma_wait3A_153 = arith.constant 0 : i32
    %dma_wait3A_154 = tpu.memref_slice %arg4[%dma_wait3A_151, %dma_wait3A_152, %dma_wait3A_153] : memref<16384x200x128xf32, #tpu.memory_space<hbm>> -> memref<2x200x64xf32, #tpu.memory_space<hbm>>
    %dma_wait3A_155 = arith.constant 0 : i32
    %dma_wait3A_156 = arith.constant 0 : i32
    %dma_wait3A_157 = arith.constant 0 : i32
    %dma_wait3A_158 = tpu.memref_slice %arg6[%dma_wait3A_141, %dma_wait3A_155, %dma_wait3A_156, %dma_wait3A_157] : memref<4x2x200x64xf32, #tpu.memory_space<vmem>> -> memref<1x2x200x64xf32, #tpu.memory_space<vmem>>
    %dma_wait3A_159 = tpu.memref_squeeze %dma_wait3A_158 : memref<1x2x200x64xf32, #tpu.memory_space<vmem>> -> memref<2x200x64xf32, #tpu.memory_space<vmem>>
    tpu.wait_dma2 semaphore(%arg16 : memref<!tpu.dma_semaphore, #tpu.memory_space<semaphore_mem>>) src(%dma_wait3A_159 : memref<2x200x64xf32, #tpu.memory_space<vmem>>) dst(%dma_wait3A_154 : memref<2x200x64xf32, #tpu.memory_space<hbm>>)
    %dma_wait3A_160 = arith.constant 2 : i32
    %dma_wait3A_161 = arith.constant 0 : i32
    %dma_wait3A_162 = arith.constant 0 : i32
    %dma_wait3A_163 = arith.constant 0 : i32
    %dma_wait3A_164 = tpu.memref_slice %arg6[%dma_wait3A_160, %dma_wait3A_161, %dma_wait3A_162, %dma_wait3A_163] : memref<4x2x200x64xf32, #tpu.memory_space<vmem>> -> memref<1x2x200x64xf32, #tpu.memory_space<vmem>>
    %dma_wait3A_165 = tpu.memref_squeeze %dma_wait3A_164 : memref<1x2x200x64xf32, #tpu.memory_space<vmem>> -> memref<2x200x64xf32, #tpu.memory_space<vmem>>
    %dma_wait3A_166 = arith.constant 0 : i32
    %dma_wait3A_167 = arith.constant 0 : i32
    %dma_wait3A_168 = arith.constant 0 : i32
    %dma_wait3A_169 = tpu.memref_slice %arg4[%dma_wait3A_166, %dma_wait3A_167, %dma_wait3A_168] : memref<16384x200x128xf32, #tpu.memory_space<hbm>> -> memref<2x200x64xf32, #tpu.memory_space<hbm>>
    %dma_wait3A_170 = arith.constant 0 : i32
    %dma_wait3A_171 = arith.constant 0 : i32
    %dma_wait3A_172 = arith.constant 0 : i32
    %dma_wait3A_173 = tpu.memref_slice %arg4[%dma_wait3A_170, %dma_wait3A_171, %dma_wait3A_172] : memref<16384x200x128xf32, #tpu.memory_space<hbm>> -> memref<2x200x64xf32, #tpu.memory_space<hbm>>
    %dma_wait3A_174 = arith.constant 0 : i32
    %dma_wait3A_175 = arith.constant 0 : i32
    %dma_wait3A_176 = arith.constant 0 : i32
    %dma_wait3A_177 = tpu.memref_slice %arg6[%dma_wait3A_160, %dma_wait3A_174, %dma_wait3A_175, %dma_wait3A_176] : memref<4x2x200x64xf32, #tpu.memory_space<vmem>> -> memref<1x2x200x64xf32, #tpu.memory_space<vmem>>
    %dma_wait3A_178 = tpu.memref_squeeze %dma_wait3A_177 : memref<1x2x200x64xf32, #tpu.memory_space<vmem>> -> memref<2x200x64xf32, #tpu.memory_space<vmem>>
    tpu.wait_dma2 semaphore(%arg17 : memref<!tpu.dma_semaphore, #tpu.memory_space<semaphore_mem>>) src(%dma_wait3A_178 : memref<2x200x64xf32, #tpu.memory_space<vmem>>) dst(%dma_wait3A_173 : memref<2x200x64xf32, #tpu.memory_space<hbm>>)
    %dma_wait3A_179 = arith.constant 3 : i32
    %dma_wait3A_180 = arith.constant 0 : i32
    %dma_wait3A_181 = arith.constant 0 : i32
    %dma_wait3A_182 = arith.constant 0 : i32
    %dma_wait3A_183 = tpu.memref_slice %arg6[%dma_wait3A_179, %dma_wait3A_180, %dma_wait3A_181, %dma_wait3A_182] : memref<4x2x200x64xf32, #tpu.memory_space<vmem>> -> memref<1x2x200x64xf32, #tpu.memory_space<vmem>>
    %dma_wait3A_184 = tpu.memref_squeeze %dma_wait3A_183 : memref<1x2x200x64xf32, #tpu.memory_space<vmem>> -> memref<2x200x64xf32, #tpu.memory_space<vmem>>
    %dma_wait3A_185 = arith.constant 0 : i32
    %dma_wait3A_186 = arith.constant 0 : i32
    %dma_wait3A_187 = arith.constant 0 : i32
    %dma_wait3A_188 = tpu.memref_slice %arg4[%dma_wait3A_185, %dma_wait3A_186, %dma_wait3A_187] : memref<16384x200x128xf32, #tpu.memory_space<hbm>> -> memref<2x200x64xf32, #tpu.memory_space<hbm>>
    %dma_wait3A_189 = arith.constant 0 : i32
    %dma_wait3A_190 = arith.constant 0 : i32
    %dma_wait3A_191 = arith.constant 0 : i32
    %dma_wait3A_192 = tpu.memref_slice %arg4[%dma_wait3A_189, %dma_wait3A_190, %dma_wait3A_191] : memref<16384x200x128xf32, #tpu.memory_space<hbm>> -> memref<2x200x64xf32, #tpu.memory_space<hbm>>
    %dma_wait3A_193 = arith.constant 0 : i32
    %dma_wait3A_194 = arith.constant 0 : i32
    %dma_wait3A_195 = arith.constant 0 : i32
    %dma_wait3A_196 = tpu.memref_slice %arg6[%dma_wait3A_179, %dma_wait3A_193, %dma_wait3A_194, %dma_wait3A_195] : memref<4x2x200x64xf32, #tpu.memory_space<vmem>> -> memref<1x2x200x64xf32, #tpu.memory_space<vmem>>
    %dma_wait3A_197 = tpu.memref_squeeze %dma_wait3A_196 : memref<1x2x200x64xf32, #tpu.memory_space<vmem>> -> memref<2x200x64xf32, #tpu.memory_space<vmem>>
    tpu.wait_dma2 semaphore(%arg18 : memref<!tpu.dma_semaphore, #tpu.memory_space<semaphore_mem>>) src(%dma_wait3A_197 : memref<2x200x64xf32, #tpu.memory_space<vmem>>) dst(%dma_wait3A_192 : memref<2x200x64xf32, #tpu.memory_space<hbm>>)
    return
  }
}

</mosaic_0001>

<sc_bundles>
// kernel: kernel.3.cloned.1.call-start
scs
__scs_entry_jumppad:
0x0: {  	(pc) =	sbr.rel $0x88, $3  }
0x1: {  	(tag) =	ssettag $0x0;
	lr =	simm.s32 $0x1  }
0x2: {  	[smem:$0x3F9F] =	sst lr;
	_ =	strace $0xD0000000  }
0x3: {  	_ = 	snop  }
0x4: {  	_ = 	snop  }
0x5: {  	_ = 	snop  }
0x6: {  	_ = 	snop  }
0x7: {  	_ = 	snop  }
__scs_overlays_trampoline_lowered:
0x8: {  	[smem:$0x3FAE] =	sst s0  }
0x9: {  	[smem:$0x3FAF] =	sst s1  }
0xa: {  	[smem:$0x3FB0] =	sst s2  }
0xb: {  	[smem:$0x3FB1] =	sst s3  }
0xc: {  	[smem:$0x3FB2] =	sst s4  }
0xd: {  	[smem:$0x3FB3] =	sst s5  }
0xe: {  	[smem:$0x3FB4] =	sst s6  }
0xf: {  	[smem:$0x3FB5] =	sst s7  }
0x10: {  	[smem:$0x3FB6] =	sst s8  }
0x11: {  	[smem:$0x3FB7] =	sst s9;
	s0 =	simm.s32 @!p0 $0x0  }
0x12: {  	s1 =	sld [smem:$0x3F9D];
	s0 =	simm.s32 @p0 $0x1  }
0x13: {  	[smem:$0x3FB8] =	sst s0;
	s0 =	simm.s32 @!p1 $0x0  }
0x14: {  	s2 =	sld [smem:$0x3F9C];
	s0 =	simm.s32 @p1 $0x1  }
0x15: {  	[smem:$0x3FB9] =	sst s0;
	s0 =	simm.s32 @!p2 $0x0  }
0x16: {  	s3 =	sld [smem:$0x3FDB];
	s0 =	simm.s32 @p2 $0x1  }
0x17: {  	s4 =	simm.s32 $0x1BF5;
	[smem:$0x3FBB] =	sst s0  }
0x18: {  	s0 =	sld [smem:$0x3F9E];
	_ =	swait.ge [sflag:s4], $0x0  }
0x19: {  	s7 =	sld [smem:$0x3F9F]  }
0x1a: {  	s8 =	sadd.s32 $0xFFFFE003, lr  }
0x1b: {  	s9 =	sadd.s32 $0xFFFFFEF7, lr;
	s5 =	simm.s32 $0xFFFFFFFF;
	p2 =	slt.u32 s8, $0xFFFFF086  }
0x1c: {  	p1 =	slt.u32 s9, $0xF7A;
	s5 =	simm.s32 @!p2 $0x0  }
0x1d: {  	s5 =	simm.s32 @p1 $0x1;
	p0 =	seq.s32 s7, s2  }
0x1e: {  	s7 =	smul.u32 @!p0 $0xF7A, s2;
	p2 =	seq.s32 @!p0 s5, $0x0  }
0x1f: {  	s9 =	smul.u32 $0xF7A, s1;
	s8 =	simm.s32 @!p0 $0x1BF5;
	p2 =	por !p2, p0  }
0x20: {  	[sflag:s8] =	ssyncset.s32 @!p0 $0xFFFFF086;
	s6 =	sadd.s32 @!p0 s3, s7;
	s7 =	simm.s32 @!p0 $0x108  }
0x21: {  	s3 =	sadd.s32 s3, s9;
	s6 =	sadd.s32 @!p0 $0x88, s6;
	s7 =	simm.s32 @p2 $0x1082  }
0x22: {  	[simem:s7], [sflag:s8] =	dma.local @!p0 [hbm:s6], $0xF7A  }
0x23: {  	s9 =	sor.u32 $0xD0000000, s2;
	s6 =	simm.s32 $0x108;
	_ =	swait.ge @!p0 [sflag:s8], $0x0  }
0x24: {  	s3 =	sadd.s32 $0x88, s3;
	s6 =	simm.s32 @!p1 $0x1082;
	[sflag:s4] =	ssyncset.s32 $0xFFFFF086  }
0x25: {  	[simem:s6], [sflag:s4] =	dma.local [hbm:s3], $0xF7A  }
0x26: {  	[smem:$0x3F9F] =	sst s1;
	(tag) =	ssettag s2;
	_ =	strace s9  }
0x27: {  	s1 =	sld [smem:$0x3FAF]  }
0x28: {  	s2 =	sld [smem:$0x3FB0]  }
0x29: {  	s4 =	sld [smem:$0x3FB2]  }
0x2a: {  	p0 =	seq.s32 s5, $0x0;
	s5 =	sld [smem:$0x3FB3]  }
0x2b: {  	s6 =	sld [smem:$0x3FB4]  }
0x2c: {  	s7 =	sld [smem:$0x3FB5]  }
0x2d: {  	s3 =	simm.s32 $0x108;
	s8 =	sld [smem:$0x3FB6]  }
0x2e: {  	s3 =	simm.s32 @!p0 $0x1082;
	s9 =	sld [smem:$0x3FB7]  }
0x2f: {  	lr =	sadd.s32 s0, s3;
	s0 =	sld [smem:$0x3FAE]  }
0x30: {  	s3 =	sld [smem:$0x3FB1]  }
0x31: {  	[smem:$0x3FBA] =	sst s10  }
0x32: {  	s10 =	sld [smem:$0x3FB8];
	_ =	sdelay $0x3  }
0x33: {  	p0 =	seq.s32 s10, $0x1;
	s10 =	sld [smem:$0x3FBA];
	_ =	sdelay $0x3  }
0x34: {  	[smem:$0x3FBA] =	sst s10  }
0x35: {  	s10 =	sld [smem:$0x3FB9];
	_ =	sdelay $0x3  }
0x36: {  	p1 =	seq.s32 s10, $0x1;
	s10 =	sld [smem:$0x3FBA];
	_ =	sdelay $0x3  }
0x37: {  	[smem:$0x3FBA] =	sst s10  }
0x38: {  	s10 =	sld [smem:$0x3FBB]  }
0x39: {  	_ = 	snop;
	(pc) =	sbr.ind lr, $3  }
0x3a: {  	_ = 	snop  }
0x3b: {  	_ = 	snop  }
0x3c: {  	p2 =	seq.s32 s10, $0x1;
	s10 =	sld [smem:$0x3FBA]  }
0x3d: {  	_ =	shalt  }
0x3e: {  	_ =	shalt  }
0x3f: {  	_ =	shalt  }
0x40: {  	_ =	shalt  }
0x41: {  	_ =	shalt  }
0x42: {  	_ =	shalt  }
0x43: {  	_ =	shalt  }
0x44: {  	_ =	shalt  }
0x45: {  	_ =	shalt  }
0x46: {  	_ =	shalt  }
0x47: {  	_ =	shalt  }
0x48: {  	_ =	shalt  }
0x49: {  	_ =	shalt  }
0x4a: {  	_ =	shalt  }
0x4b: {  	_ =	shalt  }
0x4c: {  	_ =	shalt  }
0x4d: {  	_ =	shalt  }
0x4e: {  	_ =	shalt  }
0x4f: {  	_ =	shalt  }
0x50: {  	_ =	shalt  }
0x51: {  	_ =	shalt  }
0x52: {  	_ =	shalt  }
0x53: {  	_ =	shalt  }
0x54: {  	_ =	shalt  }
0x55: {  	_ =	shalt  }
0x56: {  	_ =	shalt  }
0x57: {  	_ =	shalt  }
0x58: {  	_ =	shalt  }
0x59: {  	_ =	shalt  }
0x5a: {  	_ =	shalt  }
0x5b: {  	_ =	shalt  }
0x5c: {  	_ =	shalt  }
0x5d: {  	_ =	shalt  }
0x5e: {  	_ =	shalt  }
0x5f: {  	_ =	shalt  }
0x60: {  	_ =	shalt  }
0x61: {  	_ =	shalt  }
0x62: {  	_ =	shalt  }
0x63: {  	_ =	shalt  }
0x64: {  	_ =	shalt  }
0x65: {  	_ =	shalt  }
0x66: {  	_ =	shalt  }
0x67: {  	_ =	shalt  }
0x68: {  	_ =	shalt  }
0x69: {  	_ =	shalt  }
0x6a: {  	_ =	shalt  }
0x6b: {  	_ =	shalt  }
0x6c: {  	_ =	shalt  }
0x6d: {  	_ =	shalt  }
0x6e: {  	_ =	shalt  }
0x6f: {  	_ =	shalt  }
0x70: {  	_ =	shalt  }
0x71: {  	_ =	shalt  }
0x72: {  	_ =	shalt  }
0x73: {  	_ =	shalt  }
0x74: {  	_ =	shalt  }
0x75: {  	_ =	shalt  }
0x76: {  	_ =	shalt  }
0x77: {  	_ =	shalt  }
0x78: {  	_ =	shalt  }
0x79: {  	_ =	shalt  }
0x7a: {  	_ =	shalt  }
0x7b: {  	_ =	shalt  }
0x7c: {  	_ =	shalt  }
0x7d: {  	_ =	shalt  }
0x7e: {  	_ =	shalt  }
0x7f: {  	_ =	shalt  }
0x80: {  	_ =	shalt  }
0x81: {  	_ =	shalt  }
0x82: {  	_ =	shalt  }
0x83: {  	_ =	shalt  }
0x84: {  	_ =	shalt  }
0x85: {  	_ =	shalt  }
0x86: {  	_ =	shalt  }
0x87: {  	_ =	shalt  }
.Lfunc_end0:
.L_simem_size_0:
called_computation.1_lowered:
.L_overlay_start_0:
0x88: {  	s2 =	sld [smem:$0x3FD9]  }
0x89: {  	s3 =	sld [smem:$0x3FFE];
	_ =	sdelay $0x1  }
0x8a: {  	s1 =	srdreg.scid  }
0x8b: {  	s0 =	sand.u32 $0x1, s1  }
0x8c: {  	s16 =	sshll.u32 s0, $0xA;
	s2 =	sadd.s32 s3, s2  }
0x8d: {  	s2 =	sadd.s32 s2, s16  }
0x8e: {  	[smem:$0x3FC6] =	sst s2  }
0x8f: {  	_ = 	snop  }
0x90: {  	(tm) =	ssettm $0x1  }
0x91: {  	s17 =	sld [smem:$0x3FFB];
	_ =	sdelay $0x3  }
0x92: {  	_ =	strace s17  }
0x93: {  	s2 =	sld [smem:$0x3FFC];
	_ =	sdelay $0x3  }
0x94: {  	_ =	strace s2  }
0x95: {  	s2 =	sld [smem:$0x3FFD];
	_ =	sdelay $0x3  }
0x96: {  	_ =	strace s2  }
0x97: {  	_ =	strace $0x8FFFFFFF  }
0x98: {  	s18 =	sld [smem:$0x3FDB];
	_ =	sdelay $0x1  }
0x99: {  	s19 =	simm.s32 $_scs_section_size  }
0x9a: {  	s4 =	simm.s32 $_size__tile_overlayer_lowered;
	s5 =	simm.s32 $_tile_overlayer_lowered  }
0x9b: {  	s22 =	simm.s32 $0x1BFF;
	s21 =	sshll.u32 s5, $0x1;
	s2 =	sadd.s32 s19, s18  }
0x9c: {  	s6 =	simm.s32 $0x0;
	s20 =	sshll.u32 s4, $0x1;
	s4 =	sadd.s32 s21, s2  }
0x9d: {  	[timem:s6], [sflag:s22] =	dma.local [hbm:s4], s20  }
0x9e: {  	_ =	swait.ge [sflag:s22], s20  }
0x9f: {  	s3 =	ssub.s32 $0x0, s20;
	[sflag:s22] =	ssyncset.done $0x0  }
0xa0: {  	[sflag:s22] =	ssyncadd.s32 s3;
	_ =	sdelay $0x1  }
0xa1: {  	s23 =	simm.s32 $0x1B8B  }
0xa2: {  	_ =	swait.ge [sflag:s23], $0x1  }
0xa3: {  	[sflag:s23] =	ssyncset.done $0x0  }
0xa4: {  	s25 =	simm.s32 $0x1B8E;
	s24 =	sld [smem:$0x3FFE];
	[sflag:s23] =	ssyncadd.s32 $0xFFFFFFFF  }
0xa5: {  	s26 =	simm.s32 $execute0_lowered;
	[smem:$0x3FD2] =	sst s25  }
0xa6: {  	s4 =	sshll.u32 s26, $0x1;
	_ =	strace $0x80000046;
	[dreg:$0x1] =	wrdreg $0xFFFFFFFF  }
0xa7: {  	s28 =	simm.s32 $_size_execute0_lowered;
	s2 =	sadd.s32 s2, s4;
	[dreg:$0x0] =	wrdreg $0x0  }
0xa8: {  	s4 =	sshll.u32 s28, $0x1;
	[dreg:$0x2] =	wrdreg s2  }
0xa9: {  	[dreg:$0x3] =	wrdreg s4  }
0xaa: {  	[dreg:$0x4] =	wrdreg $0xC0  }
0xab: {  	_ =	task [dreg:s6], $0x5FFFF  }
0xac: {  	[dreg:$0x1] =	wrdreg $0xFFFFFFFF  }
0xad: {  	[dreg:$0x0] =	wrdreg $0x60  }
0xae: {  	[dreg:$0x2] =	wrdreg s24  }
0xaf: {  	[dreg:$0x3] =	wrdreg $0x9  }
0xb0: {  	_ =	task.clear_ibuf [dreg:s6], $0x4FFFF;
	_ =	strace $0x90000046  }
0xb1: {  	s29 =	simm.s32 $0x9;
	_ =	strace $0x80000048  }
0xb2: {  	_ =	swait.ge [sflag:s29], $0x1  }
0xb3: {  	[sflag:s29] =	ssyncadd.s32 $0xFFFFFFFF  }
0xb4: {  	_ =	strace $0x90000048  }
0xb5: {  	_ =	sfence  }
0xb6: {  	s30 =	sld [smem:$0x0];
	_ =	sdelay $0x2  }
0xb7: {  	s31 =	sshll.u32 s1, $0xD;
	s1 =	sshrl.u32 s1, $0x2  }
0xb8: {  	s3 =	sand.u32 $0x4000, s31;
	s1 =	sadd.s32 s1, s30  }
0xb9: {  	s0 =	sor.u32 s3, s0;
	s1 =	sshll.u32 s1, $0x11  }
0xba: {  	s0 =	sor.u32 s1, s0  }
0xbb: {  	s0 =	sadd.s32 $0x8F2B, s0  }
0xbc: {  	[sflag:s0] =	ssyncadd.remote.s32 $0x1  }
0xbd: {  	_ =	sfence.sel $0xFFFF  }
0xbe: {  	[dreg:$0x0] =	wrdreg $0xFFFFFFFF;
	(pc) =	sbr.abs _section_cstart, $3  }
0xbf: {  	[dreg:$0x1] =	wrdreg $0xFFFFFFFF  }
0xc0: {  	_ =	task.clear_ibuf [dreg:s6], $0x2FFFF;
	_ =	strace $0x9FFFFFFF  }
0xc1: {  	(tm) =	ssettm $0x7FFFFFFF  }
tec
execute0_lowered:
.L_overlay_start_1:
0x0: {  	(tag) =	ssettag $0x1  }
0x1: {  	s0 =	rddreg [dreg:$0x0];
	s11 =	stileid.u32  }
0x2: {  	s1 =	srdreg.scid;
	s2 =	simm.s32 $0x0;
	s10 =	smul.u32 $0x1900000, s11  }
0x3: {  	s28 =	simm.s32 $0x80;
	s30 =	simm.s32 $0x3;
	s18 =	smul.u32 $0x32000, s11  }
0x4: {  	s1 =	sand.u32 $0x1, s1;
	s3 =	sshll.u32 s11, $0x1;
	s11 =	smul.u32 $0x320000, s11  }
0x5: {  	s31 =	simm.s32 $0xB;
	[smem:$0x7FF] =	sst s2;
	s17 =	smul.u32 $0xC80000, s1  }
0x6: {  	s8 =	sadd.s32 $0x800, s0;
	s4 =	sor.u32 s1, s3;
	s20 =	smul.u32 $0x19000, s1  }
0x7: {  	_ =	strace $0x80000047;
	s6 =	ssub.s32 $0x2, s1;
	s1 =	smul.u32 $0x190000, s1  }
0x8: {  	s3 =	sadd.s32 $0x64800, s0;
	s5 =	smul.u32 $0x19000, s4;
	s9 =	sshrl.u32 s6, $0x1  }
0x9: {  	s7 =	smul.u32 $0xC80000, s4;
	s4 =	sadd.s32 $0x805A00, s0;
	s16 =	ssub.s32 s6, s9  }
0xa: {  	s22 =	sadd.s32 s20, s18;
	s23 =	sadd.s32 s11, s4;
	s6 =	sadd.s32 s17, s10  }
0xb: {  	s17 =	simm.s32 $0x320;
	s18 =	simm.s32 $0x1;
	s20 =	simm.s32 $0x2  }
0xc: {  	s9 =	simm.s32 $0x13240;
	s10 =	simm.s32 $0x578;
	s11 =	simm.s32 $0x16440  }
0xd: {  	s5 =	sshrl.u32 s5, $0x3;
	s7 =	sshrl.u32 s7, $0x3;
	s0 =	smax.u32 s16, $0x1  }
0xe: {  	[dreg:$0x7] =	wrdreg s6;
	s25 =	sor.u32 $0x640, s22;
	s26 =	sor.u32 $0x4B0, s22  }
0xf: {  	s16 =	simm.s32 $0x190;
	s6 =	simm.s32 $0x0;
	s12 =	sadd.s32 s8, s5  }
0x10: {  	s19 =	sadd.s32 s4, s7;
	[dreg:$0x6] =	wrdreg s0;
	s7 =	sor.u32 $0x7D0, s22  }
0x11: {  	s0 =	sadd.s32 s1, s23;
	s1 =	sshrl.u32 s26, $0x3;
	[dreg:$0x2] =	wrdreg s12  }
0x12: {  	s26 =	simm.s32 $0x40;
	s12 =	sadd.s32 $0x32, s12;
	[dreg:$0x8] =	wrdreg s0  }
0x13: {  	s21 =	sadd.s32 $0x18CE00, s19;
	s5 =	sadd.s32 $0x18E700, s19;
	[dreg:$0x3] =	wrdreg s12  }
0x14: {  	s24 =	sshrl.u32 s7, $0x3;
	s14 =	sadd.s32 s1, s8;
	[dreg:$0x4] =	wrdreg s21  }
0x15: {  	s19 =	simm.s32 $0x4B0;
	s7 =	simm.s32 $0x6;
	[dreg:$0x5] =	wrdreg s5  }
.Ltmp0:
0x16: {  	s0 =	sadd.s32 s24, s8;
	s5 =	sor.u32 $0x320, s22;
	(pc) =	sbr.rel .LBB2_1-.Ltmp0, $4  }
0x17: {  	s21 =	simm.s32 $0xC8;
	s22 =	simm.s32 $0x6A40;
	[dreg:$0x9] =	wrdreg s0  }
0x18: {  	s0 =	sshrl.u32 s25, $0x3;
	s29 =	sshrl.u32 s5, $0x3;
	s25 =	simm.s32 $0x5  }
0x19: {  	s5 =	simm.s32 $0xC;
	s0 =	sadd.s32 s0, s8;
	s15 =	sadd.s32 s29, s8  }
0x1a: {  	s8 =	simm.s32 $0x4;
	[dreg:$0xa] =	wrdreg s0;
	s0 =	simm.s32 $0xCE40  }
.LBB2_11:
0x1b: {  	s1 =	simm.s32 $0x7  }
0x1c: {  	_ =	swait.ge [sflag:s1], $0x3200  }
0x1d: {  	[sflag:s1] =	ssyncset.done $0x0  }
0x1e: {  	[sflag:s1] =	ssyncadd.s32 $0xFFFFCE00  }
0x1f: {  	_ =	swait.ge [sflag:s1], $0x3200  }
0x20: {  	[sflag:s1] =	ssyncset.done $0x0  }
0x21: {  	s12 =	simm.s32 $0x8;
	s6 =	rddreg [dreg:$0x4];
	[sflag:s1] =	ssyncadd.s32 $0xFFFFCE00  }
0x22: {  	[hbm4b:s6+s26] =	stream.strided.scatter [tilespmem:s0], [sflag:$0xB], $0x6400, s28, s26, $0x38;
	[tilespmem:$0x19640] =	vst v63  }
0x23: {  	_ =	swait.ge [sflag:s12], $0x3200  }
0x24: {  	[sflag:s12] =	ssyncset.done $0x0  }
0x25: {  	[sflag:s12] =	ssyncadd.s32 $0xFFFFCE00  }
0x26: {  	_ =	swait.ge [sflag:s12], $0x3200  }
0x27: {  	[sflag:s12] =	ssyncset.done $0x0  }
0x28: {  	s23 =	simm.s32 $0x9;
	s13 =	rddreg [dreg:$0x5];
	[sflag:s12] =	ssyncadd.s32 $0xFFFFCE00  }
0x29: {  	[hbm4b:s13+s26] =	stream.strided.scatter [tilespmem:s9], [sflag:$0xC], $0x6400, s28, s26, $0x38;
	[tilespmem:$0x19640] =	vst v63  }
0x2a: {  	_ =	swait.ge [sflag:s23], $0x6400  }
0x2b: {  	[sflag:s23] =	ssyncset.done $0x0  }
0x2c: {  	s24 =	simm.s32 $0xA;
	[sflag:s23] =	ssyncadd.s32 $0xFFFF9C00  }
0x2d: {  	_ =	swait.ge [sflag:s24], $0x6400  }
0x2e: {  	[sflag:s24] =	ssyncset.done $0x0  }
0x2f: {  	[sflag:s24] =	ssyncadd.s32 $0xFFFF9C00  }
0x30: {  	_ =	swait.ge [sflag:s31], $0x6400  }
0x31: {  	[sflag:s31] =	ssyncset.done $0x0  }
0x32: {  	[sflag:s31] =	ssyncadd.s32 $0xFFFF9C00  }
0x33: {  	_ =	swait.ge [sflag:s5], $0x6400  }
0x34: {  	s6 =	rddreg [dreg:$0xb]  }
0x35: {  	s29 =	rddreg [dreg:$0x6];
	s6 =	sadd.s32 $0x1, s6  }
0x36: {  	p0 =	sne.s32 s6, s29  }
.Ltmp1:
0x37: {  	_ = 	snop;
	(pc) =	sbr.rel @!p0 .LBB2_12-.Ltmp1, $3  }
0x38: {  	_ =	sdelay $0x1  }
0x39: {  	[sflag:s5] =	ssyncset.done $0x0  }
0x3a: {  	[sflag:s5] =	ssyncadd.s32 $0xFFFF9C00  }
.LBB2_1:
0x3b: {  	[dreg:$0xb] =	wrdreg s6  }
0x3c: {  	s1 =	rddreg [dreg:$0x2]  }
.Ltmp2:
0x3d: {  	s29 =	rddreg [dreg:$0x3];
	(pc) =	sbr.rel .LBB2_2-.Ltmp2, $4  }
0x3e: {  	s12 =	rddreg [dreg:$0x8]  }
0x3f: {  	[tilespmem:s2], [sflag:$0x1] =	stream.linear.gather [hbm4b:s1+s2], $0x190, $0x38;
	[tilespmem:$0x19640] =	vst v63  }
0x40: {  	s13 =	simm.s32 $0x0;
	s23 =	rddreg [dreg:$0x7]  }
0x41: {  	[tilespmem:s16], [sflag:$0x2] =	stream.linear.gather [hbm4b:s29+s2], $0x190, $0x38;
	[tilespmem:$0x19640] =	vst v63  }
.LBB2_7:
0x42: {  	_ =	swait.ge [sflag:s8], $0x190  }
0x43: {  	[sflag:s8] =	ssyncset.done $0x0  }
0x44: {  	[sflag:s8] =	ssyncadd.s32 $0xFFFFFE70  }
.LBB2_9:
0x45: {  	_ =	swait.ge [sflag:s5], $0x6400  }
0x46: {  	[sflag:s5] =	ssyncset.done $0x0  }
0x47: {  	[sflag:s5] =	ssyncadd.s32 $0xFFFF9C00  }
.LBB2_10:
0x48: {  	s13 =	sadd.s32 $0xC8, s13  }
0x49: {  	p0 =	sne.s32 s13, $0x3200  }
.Ltmp3:
0x4a: {  	_ = 	snop;
	(pc) =	sbr.rel @!p0 .LBB2_11-.Ltmp3, $4  }
0x4b: {  	_ = 	snop  }
0x4c: {  	[tilespmem:s9], [sflag:$0x8] =	stream.indirect.gather [hbm4b:s3+s21], $0x40, s19, s21, $0xb8;
	[tilespmem:$0x19640] =	vst v63  }
0x4d: {  	s23 =	sadd.s32 $0x32000, s23;
	s12 =	sadd.s32 $0x6400, s12  }
0x4e: {  	[tilespmem:s11], [sflag:$0x8] =	stream.indirect.gather [hbm4b:s3+s21], $0x40, s10, s21, $0xb8;
	[tilespmem:$0x19640] =	vst v63  }
.LBB2_2:
0x4f: {  	p0 =	seq.s32 s13, $0x0  }
0x50: {  	s24 =	simm.s32 @!p0 $0x7  }
0x51: {  	_ =	swait.ge @!p0 [sflag:s24], $0x3200  }
0x52: {  	[sflag:s24] =	ssyncset.done @!p0 $0x0  }
0x53: {  	[sflag:s24] =	ssyncadd.s32 @!p0 $0xFFFFCE00  }
0x54: {  	s29 =	sadd.s32 @!p0 $0xFFFE7000, s23;
	s1 =	simm.s32 @!p0 $0x80;
	_ =	swait.ge @!p0 [sflag:s24], $0x3200  }
0x55: {  	s6 =	simm.s32 @!p0 $0xCE40;
	s29 =	sshrl.u32 @!p0 s29, $0x3;
	[sflag:s24] =	ssyncset.done @!p0 $0x0  }
0x56: {  	[sflag:s24] =	ssyncadd.s32 @!p0 $0xFFFFCE00;
	s24 =	sadd.s32 @!p0 s4, s29;
	s29 =	simm.s32 @!p0 $0x40  }
0x57: {  	[hbm4b:s24+s29] =	stream.strided.scatter @!p0 [tilespmem:s6], [sflag:$0xB], $0x6400, s1, s29, $0x38;
	[tilespmem:$0x19640] =	vst v63  }
0x58: {  	s24 =	sadd.s32 s13, s15  }
0x59: {  	[tilespmem:s17], [sflag:$0x3] =	stream.linear.gather [hbm4b:s24+s2], $0x190, $0x38;
	[tilespmem:$0x19640] =	vst v63  }
0x5a: {  	_ =	swait.ge [sflag:s18], $0x190  }
0x5b: {  	p1 =	sne.s32 s13, $0x0;
	[sflag:s18] =	ssyncset.done $0x0  }
0x5c: {  	s1 =	simm.s32 @p1 $0x9;
	[sflag:s18] =	ssyncadd.s32 $0xFFFFFE70  }
0x5d: {  	_ =	swait.ge @p1 [sflag:s1], $0x6400  }
0x5e: {  	s6 =	simm.s32 @p1 $0x0;
	[sflag:s1] =	ssyncset.done @p1 $0x0  }
0x5f: {  	s24 =	simm.s32 @p1 $0x640;
	[sflag:s1] =	ssyncadd.s32 @p1 $0xFFFF9C00;
	s1 =	simm.s32 @p1 $0xC8  }
0x60: {  	[tilespmem:s24], [sflag:$0x5] =	stream.indirect.gather @p1 [hbm4b:s3+s1], $0x40, s6, s1, $0xb8;
	[tilespmem:$0x19640] =	vst v63  }
0x61: {  	s6 =	simm.s32 @p1 $0x3840  }
0x62: {  	[tilespmem:s6], [sflag:$0x5] =	stream.indirect.gather @p1 [hbm4b:s3+s1], $0x40, s1, s1, $0xb8;
	[tilespmem:$0x19640] =	vst v63  }
0x63: {  	s1 =	simm.s32 @p1 $0x8  }
0x64: {  	_ =	swait.ge @p1 [sflag:s1], $0x3200  }
0x65: {  	[sflag:s1] =	ssyncset.done @p1 $0x0  }
0x66: {  	[sflag:s1] =	ssyncadd.s32 @p1 $0xFFFFCE00  }
0x67: {  	s29 =	simm.s32 @p1 $0x13240;
	s6 =	sadd.s32 @p1 $0xFFFF3800, s23;
	_ =	swait.ge @p1 [sflag:s1], $0x3200  }
0x68: {  	s24 =	simm.s32 @p1 $0x80;
	s6 =	sshrl.u32 @p1 s6, $0x3;
	[sflag:s1] =	ssyncset.done @p1 $0x0  }
0x69: {  	[sflag:s1] =	ssyncadd.s32 @p1 $0xFFFFCE00;
	s1 =	sadd.s32 @p1 s4, s6;
	s6 =	simm.s32 @p1 $0x40  }
0x6a: {  	[hbm4b:s1+s6] =	stream.strided.scatter @p1 [tilespmem:s29], [sflag:$0xC], $0x6400, s24, s6, $0x38;
	[tilespmem:$0x19640] =	vst v63  }
0x6b: {  	s1 =	simm.s32 @!p1 $0xC8;
	s6 =	simm.s32 @!p1 $0x0;
	s24 =	simm.s32 @!p1 $0x640  }
0x6c: {  	[tilespmem:s24], [sflag:$0x5] =	stream.indirect.gather @!p1 [hbm4b:s3+s1], $0x40, s6, s1, $0xb8;
	[tilespmem:$0x19640] =	vst v63  }
0x6d: {  	s6 =	simm.s32 @!p1 $0x3840  }
0x6e: {  	[tilespmem:s6], [sflag:$0x5] =	stream.indirect.gather @!p1 [hbm4b:s3+s1], $0x40, s1, s1, $0xb8;
	[tilespmem:$0x19640] =	vst v63  }
0x6f: {  	s29 =	sadd.s32 s13, s14  }
0x70: {  	[tilespmem:s19], [sflag:$0x4] =	stream.linear.gather [hbm4b:s29+s2], $0x190, $0x38;
	[tilespmem:$0x19640] =	vst v63  }
0x71: {  	_ =	swait.ge [sflag:s20], $0x190  }
0x72: {  	[sflag:s20] =	ssyncset.done $0x0  }
0x73: {  	s1 =	simm.s32 @!p0 $0xA;
	[sflag:s20] =	ssyncadd.s32 $0xFFFFFE70  }
0x74: {  	_ =	swait.ge @!p0 [sflag:s1], $0x6400  }
0x75: {  	[sflag:s1] =	ssyncset.done @!p0 $0x0  }
0x76: {  	[sflag:s1] =	ssyncadd.s32 @!p0 $0xFFFF9C00  }
0x77: {  	[tilespmem:s22], [sflag:$0x6] =	stream.indirect.gather [hbm4b:s3+s21], $0x40, s16, s21, $0xb8;
	[tilespmem:$0x19640] =	vst v63  }
0x78: {  	s24 =	simm.s32 $0x9C40;
	s6 =	simm.s32 $0x258  }
0x79: {  	[tilespmem:s24], [sflag:$0x6] =	stream.indirect.gather [hbm4b:s3+s21], $0x40, s6, s21, $0xb8;
	[tilespmem:$0x19640] =	vst v63  }
0x7a: {  	_ =	swait.ge [sflag:s25], $0x3200  }
0x7b: {  	p1 =	sne.s32 s13, $0x3138;
	[sflag:s25] =	ssyncset.done $0x0  }
.Ltmp4:
0x7c: {  	[sflag:s25] =	ssyncadd.s32 $0xFFFFCE00;
	(pc) =	sbr.rel @p1 .LBB2_4-.Ltmp4, $4  }
0x7d: {  	_ =	swait.ge [sflag:s25], $0x3200  }
0x7e: {  	[sflag:s25] =	ssyncset.done $0x0  }
0x7f: {  	s29 =	simm.s32 $0x640;
	[sflag:s25] =	ssyncadd.s32 $0xFFFFCE00  }
0x80: {  	[hbm4b:s12+s26] =	stream.strided.scatter [tilespmem:s29], [sflag:$0x9], $0x6400, s28, s26, $0x38;
	[tilespmem:$0x19640] =	vst v63  }
.Ltmp5:
0x81: {  	(pc) =	sbr.rel .LBB2_5-.Ltmp5, $4  }
0x82: {  	_ = 	snop  }
0x83: {  	_ =	swait.ge [sflag:s30], $0x190  }
0x84: {  	[sflag:s30] =	ssyncset.done $0x0  }
0x85: {  	[sflag:s30] =	ssyncadd.s32 $0xFFFFFE70  }
.LBB2_4:
0x86: {  	s1 =	rddreg [dreg:$0xa]  }
.Ltmp6:
0x87: {  	s1 =	sadd.s32 s13, s1;
	(pc) =	sbr.rel @p0 .LBB2_6-.Ltmp6, $4  }
0x88: {  	[tilespmem:s2], [sflag:$0x1] =	stream.linear.gather [hbm4b:s1+s2], $0x190, $0x38;
	[tilespmem:$0x19640] =	vst v63  }
0x89: {  	_ =	swait.ge [sflag:s30], $0x190  }
0x8a: {  	[sflag:s30] =	ssyncset.done $0x0  }
0x8b: {  	[sflag:s30] =	ssyncadd.s32 $0xFFFFFE70  }
.LBB2_5:
0x8c: {  	_ =	swait.ge [sflag:s31], $0x6400  }
0x8d: {  	[sflag:s31] =	ssyncset.done $0x0  }
0x8e: {  	[sflag:s31] =	ssyncadd.s32 $0xFFFF9C00  }
.LBB2_6:
0x8f: {  	[tilespmem:s0], [sflag:$0x7] =	stream.indirect.gather [hbm4b:s3+s21], $0x40, s17, s21, $0xb8;
	[tilespmem:$0x19640] =	vst v63  }
0x90: {  	s1 =	simm.s32 $0x3E8;
	s6 =	simm.s32 $0x10040  }
0x91: {  	[tilespmem:s6], [sflag:$0x7] =	stream.indirect.gather [hbm4b:s3+s21], $0x40, s1, s21, $0xb8;
	[tilespmem:$0x19640] =	vst v63  }
0x92: {  	_ =	swait.ge [sflag:s7], $0x3200  }
0x93: {  	[sflag:s7] =	ssyncset.done $0x0  }
.Ltmp7:
0x94: {  	[sflag:s7] =	ssyncadd.s32 $0xFFFFCE00;
	(pc) =	sbr.rel @!p1 .LBB2_7-.Ltmp7, $4  }
0x95: {  	_ =	swait.ge [sflag:s7], $0x3200  }
0x96: {  	[sflag:s7] =	ssyncset.done $0x0  }
0x97: {  	s29 =	sadd.s32 $0x1900, s12;
	[sflag:s7] =	ssyncadd.s32 $0xFFFFCE00  }
0x98: {  	[hbm4b:s29+s26] =	stream.strided.scatter [tilespmem:s22], [sflag:$0xA], $0x6400, s28, s26, $0x38;
	[tilespmem:$0x19640] =	vst v63  }
0x99: {  	s1 =	rddreg [dreg:$0x9]  }
0x9a: {  	s1 =	sadd.s32 s13, s1  }
0x9b: {  	[tilespmem:s16], [sflag:$0x2] =	stream.linear.gather [hbm4b:s1+s2], $0x190, $0x38;
	[tilespmem:$0x19640] =	vst v63  }
.Ltmp8:
0x9c: {  	_ = 	snop;
	(pc) =	sbr.rel @!p0 .LBB2_9-.Ltmp8, $4  }
.Ltmp9:
0x9d: {  	_ = 	snop;
	(pc) =	sbr.rel @p0 .LBB2_10-.Ltmp9, $4  }
0x9e: {  	_ =	swait.ge [sflag:s8], $0x190  }
0x9f: {  	[sflag:s8] =	ssyncset.done $0x0  }
0xa0: {  	[sflag:s8] =	ssyncadd.s32 $0xFFFFFE70  }
0xa1: {  	_ = 	snop  }
.LBB2_12:
0xa2: {  	_ =	sfence.sel $0x180000  }
0xa3: {  	[bflag:$0x0] =	sbarrier.arrive $0xFFFF  }
0xa4: {  	_ =	strace $0x90000047  }
0xa5: {  	s0 =	stileid.u32;
	[bflag:$0x2] =	sbarrier.arrive $0xFFFF  }
0xa6: {  	p0 =	sne.s32 s0, $0x0;
	s0 =	rddreg [dreg:$0x1]  }
0xa7: {  	s0 =	sadd.s32 @!p0 $0x100000, s0  }
0xa8: {  	[sflag:s0] =	ssyncadd.tile.s32 @!p0 $0x1;
	_ =	shalt  }
.Lfunc_end2:
_tile_overlayer_lowered:
.L_overlay_start_2:
0xa9: {  	(tag) =	ssettag $0x2  }
0xaa: {  	s0 =	rddreg [dreg:$0x0];
	s2 =	stileid.u32  }
0xab: {  	s1 =	rddreg [dreg:$0x1];
	p0 =	sne.s32 s2, $0x0  }
0xac: {  	s3 =	rddreg [dreg:$0x2];
	[bflag:$0x3] =	sbarrier.arrive $0xFFFF;
	s2 =	simm.s32 @!p0 $0x1C0D  }
0xad: {  	[timem:s3], [sflag:s2] =	dma.local @!p0 [hbm:s0], s1  }
0xae: {  	s0 =	simm.s32 @!p0 $0xD  }
0xaf: {  	_ =	swait.ge @!p0 [sflag:s0], s1  }
0xb0: {  	s1 =	ssub.s32 @!p0 $0x0, s1;
	[sflag:s0] =	ssyncset.done @!p0 $0x0  }
0xb1: {  	[sflag:s0] =	ssyncadd.s32 @!p0 s1  }
0xb2: {  	[bflag:$0x3] =	sbarrier.arrive $0xFFFF  }
0xb3: {  	_ =	shalt  }

// kernel: sparse-core-data-format-call.cloned.1.call-start
scs
called_computation_lowered:
.L_overlay_start_0:
0x0: {  	s2 =	sld [smem:$0x3FD9]  }
0x1: {  	s3 =	sld [smem:$0x3FFE];
	_ =	sdelay $0x1  }
0x2: {  	s1 =	srdreg.scid  }
0x3: {  	s0 =	sand.u32 $0x1, s1  }
0x4: {  	s18 =	sshll.u32 s0, $0xA;
	s2 =	sadd.s32 s3, s2  }
0x5: {  	s2 =	sadd.s32 s2, s18  }
0x6: {  	[smem:$0x3FC6] =	sst s2  }
0x7: {  	_ = 	snop  }
0x8: {  	s2 =	sld [smem:$0x3FD0];
	(tm) =	ssettm $0x1  }
0x9: {  	s19 =	sld [smem:$0x3FFB];
	_ =	sdelay $0x3  }
0xa: {  	_ =	strace s19  }
0xb: {  	s3 =	sld [smem:$0x3FFC];
	_ =	sdelay $0x3  }
0xc: {  	_ =	strace s3  }
0xd: {  	s3 =	sld [smem:$0x3FFD];
	_ =	sdelay $0x3  }
0xe: {  	_ =	strace s3  }
0xf: {  	_ =	strace $0x8FFFFFFF  }
0x10: {  	s20 =	sld [smem:$0x3FDB];
	_ =	sdelay $0x1  }
0x11: {  	s4 =	simm.s32 $_scs_section_size  }
0x12: {  	s5 =	simm.s32 $_size__tile_overlayer_lowered;
	s6 =	simm.s32 $_tile_overlayer_lowered  }
0x13: {  	s23 =	simm.s32 $0x1BFF;
	s22 =	sshll.u32 s6, $0x1;
	s3 =	sadd.s32 s4, s20  }
0x14: {  	s7 =	simm.s32 $0x0;
	s21 =	sshll.u32 s5, $0x1;
	s5 =	sadd.s32 s22, s3  }
0x15: {  	[timem:s7], [sflag:s23] =	dma.local [hbm:s5], s21  }
0x16: {  	_ =	swait.ge [sflag:s23], s21  }
0x17: {  	s4 =	ssub.s32 $0x0, s21;
	[sflag:s23] =	ssyncset.done $0x0  }
0x18: {  	[sflag:s23] =	ssyncadd.s32 s4;
	_ =	sdelay $0x1  }
0x19: {  	s24 =	simm.s32 $0x1B8B  }
0x1a: {  	_ =	swait.ge [sflag:s24], $0x1  }
0x1b: {  	[sflag:s24] =	ssyncset.done $0x0  }
0x1c: {  	s26 =	simm.s32 $0x1B8E;
	s25 =	sld [smem:$0x3FFE];
	[sflag:s24] =	ssyncadd.s32 $0xFFFFFFFF  }
0x1d: {  	s27 =	simm.s32 $execute0_lowered;
	[smem:$0x3FD2] =	sst s26  }
0x1e: {  	s5 =	sshll.u32 s27, $0x1;
	_ =	strace $0x80000049;
	[dreg:$0x1] =	wrdreg $0xFFFFFFFF  }
0x1f: {  	s28 =	simm.s32 $_size_execute0_lowered;
	s3 =	sadd.s32 s3, s5;
	[dreg:$0x0] =	wrdreg $0x0  }
0x20: {  	s5 =	sshll.u32 s28, $0x1;
	[dreg:$0x2] =	wrdreg s3  }
0x21: {  	[dreg:$0x3] =	wrdreg s5  }
0x22: {  	[dreg:$0x4] =	wrdreg $0xC0  }
0x23: {  	_ =	task [dreg:s7], $0x5FFFF  }
0x24: {  	[dreg:$0x1] =	wrdreg $0xFFFFFFFF  }
0x25: {  	[dreg:$0x0] =	wrdreg $0x60  }
0x26: {  	[dreg:$0x2] =	wrdreg s25  }
0x27: {  	[dreg:$0x3] =	wrdreg s2  }
0x28: {  	[dreg:$0x4] =	wrdreg $0x9  }
0x29: {  	_ =	task.clear_ibuf [dreg:s7], $0x5FFFF;
	_ =	strace $0x90000049  }
0x2a: {  	s29 =	simm.s32 $0x9;
	_ =	strace $0x8000004B  }
0x2b: {  	_ =	swait.ge [sflag:s29], $0x1  }
0x2c: {  	[sflag:s29] =	ssyncadd.s32 $0xFFFFFFFF  }
0x2d: {  	_ =	strace $0x9000004B  }
0x2e: {  	_ =	sfence  }
0x2f: {  	s30 =	sld [smem:$0x0];
	_ =	sdelay $0x2  }
0x30: {  	s31 =	sshll.u32 s1, $0xD;
	s1 =	sshrl.u32 s1, $0x2  }
0x31: {  	s3 =	sand.u32 $0x4000, s31;
	s1 =	sadd.s32 s1, s30  }
0x32: {  	s0 =	sor.u32 s3, s0;
	s1 =	sshll.u32 s1, $0x11  }
0x33: {  	s0 =	sor.u32 s1, s0  }
0x34: {  	s0 =	sadd.s32 $0x8F2B, s0  }
0x35: {  	[sflag:s0] =	ssyncadd.remote.s32 $0x1  }
0x36: {  	_ =	sfence.sel $0xFFFF  }
0x37: {  	[dreg:$0x0] =	wrdreg $0xFFFFFFFF;
	(pc) =	sbr.abs _section_cstart, $3  }
0x38: {  	[dreg:$0x1] =	wrdreg $0xFFFFFFFF  }
0x39: {  	_ =	task.clear_ibuf [dreg:s7], $0x2FFFF;
	_ =	strace $0x9FFFFFFF  }
0x3a: {  	(tm) =	ssettm $0x7FFFFFFF  }
0x3b: {  	_ =	shalt  }
tec
execute0_lowered:
.L_overlay_start_1:
0x0: {  	(tag) =	ssettag $0x1  }
0x1: {  	s0 =	srdreg.scid  }
0x2: {  	s1 =	sshll.u32 s0, $0x4  }
0x3: {  	s0 =	stileid.u32;
	s1 =	sand.u32 $0x10, s1  }
0x4: {  	s1 =	sor.u32 s0, s1  }
0x5: {  	s6 =	rddreg [dreg:$0x0];
	s4 =	simm.s32 $0x1;
	s2 =	sshll.u32 s1, $0x7  }
0x6: {  	s7 =	simm.s32 $0x2;
	s12 =	simm.s32 $0x0;
	s1 =	ssub.s32 $0x4000, s2  }
0x7: {  	s8 =	simm.s32 $0x20000;
	s13 =	simm.s32 $0x0;
	s3 =	sand.u32 $0xF80, s1  }
0x8: {  	s9 =	simm.s32 $0x0;
	s5 =	sshrl.u32 s1, $0xC;
	p0 =	sne.s32 s3, $0x0  }
.Ltmp0:
0x9: {  	s1 =	rddreg [dreg:$0x2];
	s4 =	simm.s32 @!p0 $0x0;
	(pc) =	sbr.rel .LBB1_1-.Ltmp0, $4  }
0xa: {  	s11 =	simm.s32 $0x0;
	s3 =	rddreg [dreg:$0x1];
	s5 =	sadd.s32 s4, s5  }
0xb: {  	_ =	strace $0x8000004A;
	s4 =	simm.s32 $0x1;
	s5 =	smul.u32 $0xC8, s5  }
0xc: {  	s6 =	sadd.s32 $0x805A00, s6;
	s10 =	smov.u32 s2;
	[sflag:s4] =	ssyncpa.u1 $0x0  }
0xd: {  	p0 =	por $0x0, $0x0;
	[sflag:s7] =	ssyncpa.u1 $0x0;
	s7 =	sor.u32 $0x1, s5  }
.LBB1_4:
0xe: {  	s16 =	sshll.u32 s13, $0x3;
	s17 =	sand.u32 $0x78, s13  }
0xf: {  	s30 =	sand.u32 $0x1F800, s13;
	s12 =	sshll.u32 s12, $0x11;
	s16 =	sand.u32 $0x3C00, s16  }
0x10: {  	[tilespmem:s15+$0x810 ss:$0x81] =	vst.msk $0xffff, v2;
	s31 =	sand.u32 $0x7, s13;
	s16 =	sor.u32 s17, s16;
	s17 =	sadd.s32 s3, s30  }
0x11: {  	[tilespmem:s15+$0x1020 ss:$0x81] =	vst.msk $0xffff, v0;
	s13 =	sshll.u32 s31, $0x12;
	s12 =	sadd.s32 s12, s17;
	s16 =	sshrl.u32 s16, $0x3  }
0x12: {  	[tilespmem:s15+$0x0 ss:$0x81] =	vst.msk $0xffff, v1;
	s13 =	sor.u32 $0x400, s13;
	s12 =	sadd.s32 s16, s12  }
0x13: {  	[hbm4b:s12+s13] =	stream.strided.scatter [tilespmem:s14], [sflag:$0x2], $0x2000, s8, s13, $0x20;
	[tilespmem:$0x8080] =	vst v63  }
.LBB1_5:
0x14: {  	s14 =	sadd.s32 $0x1, s9  }
0x15: {  	s12 =	sadd.s32 $0x1000, s10;
	s16 =	smov.u32 s10;
	p2 =	sgt.s32 s14, $0xC7  }
0x16: {  	s16 =	smov.u32 @p2 s12  }
0x17: {  	s14 =	simm.s32 @p2 $0x0;
	p2 =	sgt.s32 s16, $0x3FFF  }
0x18: {  	s16 =	smov.u32 @p2 s2;
	p2 =	sne.s32 s11, s7  }
.Ltmp1:
0x19: {  	p1 =	slt.u32 s11, $0x2;
	(pc) =	sbr.rel @!p2 .LBB1_6-.Ltmp1, $4  }
0x1a: {  	s15 =	simm.s32 @!p1 $0x2  }
0x1b: {  	s13 =	smov.u32 s10;
	p0 =	por !p0, !p0;
	_ =	swait.ge @!p1 [sflag:s15], $0x2000  }
0x1c: {  	s12 =	smov.u32 s9;
	[sflag:s15] =	ssyncset.done @!p1 $0x0;
	s9 =	smov.u32 s14  }
0x1d: {  	s11 =	sadd.s32 $0x1, s11;
	[sflag:s15] =	ssyncadd.s32 @!p1 $0xFFFFE000;
	s10 =	smov.u32 s16  }
.LBB1_1:
0x1e: {  	p1 =	sge.u32 s11, s5  }
0x1f: {  	s14 =	sand.u32 @!p1 $0x1FFFFFF, s9  }
0x20: {  	s15 =	smulhi.u32 @!p1 $0x147AE15, s14;
	_ =	sdelay $0x1  }
0x21: {  	s15 =	smul.u32 @!p1 $0xC8, s15  }
0x22: {  	s16 =	sxor.u32 @!p1 $0xFFFFFFFF, s11;
	s17 =	smul.u32 @!p1 $0xC80, s10  }
0x23: {  	s31 =	sadd.s32 $0xFFFFFFFF, s11;
	s16 =	sshll.u32 @!p1 s16, $0xD;
	s14 =	ssub.s32 @!p1 s14, s15  }
0x24: {  	s15 =	sand.u32 @!p1 $0x2000, s16;
	s16 =	sadd.s32 @!p1 s6, s17;
	s14 =	sshll.u32 @!p1 s14, $0x4  }
0x25: {  	s17 =	simm.s32 @!p1 $0x6400;
	s14 =	sadd.s32 @!p1 s14, s16;
	s16 =	simm.s32 @!p1 $0x40  }
0x26: {  	[tilespmem:s15], [sflag:$0x1] =	stream.strided.gather @!p1 [hbm4b:s14+s16], $0x2000, s17, s16, $0x38;
	[tilespmem:$0x8080] =	vst v63  }
0x27: {  	p1 =	sge.u32 s31, s5  }
.Ltmp2:
0x28: {  	_ = 	snop;
	(pc) =	sbr.rel @p1 .LBB1_5-.Ltmp2, $1  }
0x29: {  	_ =	sdelay $0x3  }
0x2a: {  	s14 =	simm.s32 $0x1  }
0x2b: {  	_ =	swait.ge [sflag:s4], $0x2000;
	s14 =	simm.s32 @!p0 $0x0  }
0x2c: {  	[sflag:s4] =	ssyncset.done $0x0;
	s15 =	sshll.u32 s14, $0xD  }
0x2d: {  	[sflag:s4] =	ssyncadd.s32 $0xFFFFE000;
	s18 =	sor.u32 $0x20, s15  }
0x2e: {  	s14 =	smul.u32 $0x8100, s14;
	v3 =	vld [tilespmem:s18+$0x10]  }
0x2f: {  	s30 =	sand.u32 $0x1, s11;
	v2 =	vld [tilespmem:s18+$0xFFFFFFF0]  }
0x30: {  	s15 =	smul.u32 $0x8100, s30;
	s14 =	sshrl.u32 s14, $0x2;
	v0 =	vld [tilespmem:s18+$0x0]  }
0x31: {  	v1 =	vld [tilespmem:s18+$0xFFFFFFE0];
	s16 =	sor.u32 $0x4000, s14  }
0x32: {  	s31 =	sshrl.u32 s15, $0x2;
	s15 =	sadd.s32 $0x0, s16  }
0x33: {  	s17 =	simm.s32 $0x4;
	s18 =	sadd.s32 $0x40, s18;
	s14 =	sor.u32 $0x4000, s31;
	[tilespmem:s15+$0x1830 ss:$0x81] =	vst.msk $0xffff, v3  }
.LBB1_3:
0x34: {  	v3 =	vld [tilespmem:s18+$0x10];
	p1 =	sne.s32 s17, $0x1FC;
	[tilespmem:s15+$0x810 ss:$0x81] =	vst.msk $0xffff, v2;
	s19 =	smov.u32 s17;
	s17 =	sadd.s32 $0x4, s17  }
.Ltmp3:
0x35: {  	v2 =	vld [tilespmem:s18+$0xFFFFFFF0];
	[tilespmem:s15+$0x1020 ss:$0x81] =	vst.msk $0xffff, v0;
	(pc) =	sbr.rel @p1 .LBB1_3-.Ltmp3, $4  }
0x36: {  	v0 =	vld [tilespmem:s18+$0x0];
	[tilespmem:s15+$0x0 ss:$0x81] =	vst.msk $0xffff, v1  }
0x37: {  	s15 =	sshra.s32 s19, $0x2;
	v1 =	vld [tilespmem:s18+$0xFFFFFFE0]  }
0x38: {  	s15 =	sadd.s32 s15, s16  }
0x39: {  	s18 =	sadd.s32 $0x40, s18;
	[tilespmem:s15+$0x1830 ss:$0x81] =	vst.msk $0xffff, v3  }
.Ltmp4:
0x3a: {  	_ = 	snop;
	(pc) =	sbr.rel .LBB1_4-.Ltmp4, $1  }
0x3b: {  	_ =	sdelay $0x3  }
.LBB1_6:
0x3c: {  	_ =	sfence.sel $0x180000  }
0x3d: {  	s2 =	simm.s32 $0x1;
	[bflag:$0x0] =	sbarrier.arrive $0xFFFF  }
0x3e: {  	s31 =	simm.s32 $0x2;
	[sflag:s2] =	ssyncpa.u1 $0x1  }
0x3f: {  	[sflag:s31] =	ssyncpa.u1 $0x1  }
0x40: {  	p0 =	sne.s32 s0, $0x0;
	_ =	strace $0x9000004A  }
0x41: {  	s0 =	sadd.s32 @!p0 $0x100000, s1;
	[bflag:$0x2] =	sbarrier.arrive $0xFFFF  }
0x42: {  	[sflag:s0] =	ssyncadd.tile.s32 @!p0 $0x1;
	_ =	shalt  }
.Lfunc_end1:
_tile_overlayer_lowered:
.L_overlay_start_2:
0x43: {  	(tag) =	ssettag $0x2  }
0x44: {  	s0 =	rddreg [dreg:$0x0];
	s2 =	stileid.u32  }
0x45: {  	s1 =	rddreg [dreg:$0x1];
	p0 =	sne.s32 s2, $0x0  }
0x46: {  	s3 =	rddreg [dreg:$0x2];
	[bflag:$0x3] =	sbarrier.arrive $0xFFFF;
	s2 =	simm.s32 @!p0 $0x1C01  }
0x47: {  	[timem:s3], [sflag:s2] =	dma.local @!p0 [hbm:s0], s1  }
0x48: {  	s0 =	simm.s32 @!p0 $0x1  }
0x49: {  	_ =	swait.ge @!p0 [sflag:s0], s1  }
0x4a: {  	s1 =	ssub.s32 @!p0 $0x0, s1;
	[sflag:s0] =	ssyncset.done @!p0 $0x0  }
0x4b: {  	[sflag:s0] =	ssyncadd.s32 @!p0 s1  }
0x4c: {  	[bflag:$0x3] =	sbarrier.arrive $0xFFFF  }
0x4d: {  	_ =	shalt  }

</sc_bundles>
